<compile_context>
chip_gen: v7x
topology: tpu7x:2x2x1
jax: 0.10.2.dev20260603
libtpu: 0.0.44.dev20260713+nightly
codegen_flags: <defaults>
</compile_context>

<pallas_src>
import numpy as np
import jax
import jax.numpy as jnp
from jax import lax
from jax.experimental import pallas as pl
from jax.experimental.pallas import tpu as pltpu
from jax.experimental.pallas import tpu_sc as plsc

N = 4096
H = 768
DS = 32
DG = 32
FM = 64
E = 8
FF = 1536
RES_SCALE = float(1.0 / np.sqrt(8.0))

TR = 1024
NTR = N // TR
TF = 512
NTF = N // TF + E - 1
P = NTF * TF

NC = 2
NS = 16
NW = NC * NS
TOK_W = N // NW


def _gelu(x):
    return 0.5 * x * (1.0 + lax.erf(x * float(1.0 / np.sqrt(2.0))))



def _router_body(h_ref, te_ref, lng_ref, lnb_ref, wg_ref, bg_ref,
                 wf_ref, bf_ref, wr_ref, br_ref,
                 idx_out, coef_out, rank_out, po_out, texp_out, tpt_out, lb_out,
                 utri_ref, counts_sc, imp_sc):
    t = pl.program_id(0)

    @pl.when(t == 0)
    def _init():
        counts_sc[...] = jnp.zeros_like(counts_sc)
        imp_sc[...] = jnp.zeros_like(imp_sc)
        t_r = lax.broadcasted_iota(jnp.int32, (TR, TR), 0)
        t_c = lax.broadcasted_iota(jnp.int32, (TR, TR), 1)
        utri_ref[...] = (t_r < t_c).astype(jnp.float32)

    x = h_ref[...]
    mu = jnp.mean(x, axis=-1, keepdims=True)
    var = jnp.mean(x * x, axis=-1, keepdims=True) - mu * mu
    xn = (x - mu) * lax.rsqrt(var + 1e-5)
    h_ln = xn * lng_ref[...] + lnb_ref[...]
    g = _gelu(jnp.dot(h_ln, wg_ref[...], preferred_element_type=jnp.float32)
              + bg_ref[...])
    cond = jnp.concatenate([te_ref[...], g], axis=-1)
    u = _gelu(jnp.dot(cond, wf_ref[...], preferred_element_type=jnp.float32)
              + bf_ref[...])
    ut = u.T
    lt = (jnp.dot(wr_ref[...].T, ut, preferred_element_type=jnp.float32)
          + br_ref[...].reshape(E, 1))

    m = jnp.max(lt, axis=0, keepdims=True)
    p = jnp.exp(lt - m)
    probs = p / jnp.sum(p, axis=0, keepdims=True)

    eids = lax.broadcasted_iota(jnp.int32, (E, TR), 0)
    is_max = lt >= m
    top = jnp.min(jnp.where(is_max, eids, E), axis=0)
    top_prob = jnp.max(probs, axis=0)

    onehot = (eids == top[None, :]).astype(jnp.float32)
    cum = jnp.dot(onehot, utri_ref[...], preferred_element_type=jnp.float32)
    rank_f = jnp.sum(onehot * (cum + counts_sc[...]), axis=0)
    rank = rank_f.astype(jnp.int32)

    counts_sc[...] = counts_sc[...] + jnp.sum(onehot, axis=1, keepdims=True)
    imp_sc[...] = imp_sc[...] + jnp.sum(probs, axis=1, keepdims=True)

    idx_out[...] = top
    coef_out[...] = RES_SCALE * top_prob
    rank_out[...] = rank

    @pl.when(t == NTR - 1)
    def _final():
        cnt = counts_sc[...]
        pc = jnp.ceil(cnt / TF) * TF
        e_r = lax.broadcasted_iota(jnp.int32, (E, E), 0)
        e_c = lax.broadcasted_iota(jnp.int32, (E, E), 1)
        l8 = (e_c < e_r).astype(jnp.float32)
        po = jnp.dot(l8, pc, preferred_element_type=jnp.float32)
        tp = jnp.sum(pc)
        ends = po + pc
        s = lax.broadcasted_iota(jnp.int32, (1, NTF), 1).astype(jnp.float32) * TF
        sp = jnp.minimum(s, tp - TF)
        te = jnp.sum((ends <= sp).astype(jnp.int32), axis=0)
        po_out[...] = po.astype(jnp.int32).reshape(E)
        texp_out[...] = te
        tpt_out[...] = (tp.astype(jnp.int32) // TF).reshape(1)
        lb = E * jnp.sum(imp_sc[...] * cnt) / (N * N + 1e-8)
        lb_out[...] = lb.reshape(1)


def _router_call(h, tok_emb, ln_g, ln_b, Wg, bg, Wf, bf, Wr, br):
    out_shapes = (
        jax.ShapeDtypeStruct((N,), jnp.int32),
        jax.ShapeDtypeStruct((N,), jnp.float32),
        jax.ShapeDtypeStruct((N,), jnp.int32),
        jax.ShapeDtypeStruct((E,), jnp.int32),
        jax.ShapeDtypeStruct((NTF,), jnp.int32),
        jax.ShapeDtypeStruct((1,), jnp.int32),
        jax.ShapeDtypeStruct((1,), jnp.float32),
    )
    grid = (NTR,)
    tile1 = lambda i: (i,)
    const1 = lambda i: (0,)
    const2 = lambda i: (0, 0)
    in_specs = [
        pl.BlockSpec((TR, H), lambda i: (i, 0)),
        pl.BlockSpec((TR, DS), lambda i: (i, 0)),
        pl.BlockSpec((1, H), const2),
        pl.BlockSpec((1, H), const2),
        pl.BlockSpec((H, DG), const2),
        pl.BlockSpec((1, DG), const2),
        pl.BlockSpec((DS + DG, FM), const2),
        pl.BlockSpec((1, FM), const2),
        pl.BlockSpec((FM, E), const2),
        pl.BlockSpec((1, E), const2),
    ]
    out_specs = (
        pl.BlockSpec((TR,), tile1),
        pl.BlockSpec((TR,), tile1),
        pl.BlockSpec((TR,), tile1),
        pl.BlockSpec((E,), const1),
        pl.BlockSpec((NTF,), const1),
        pl.BlockSpec((1,), const1),
        pl.BlockSpec((1,), const1),
    )
    return pl.pallas_call(
        _router_body,
        grid=grid,
        in_specs=in_specs,
        out_specs=out_specs,
        out_shape=out_shapes,
        scratch_shapes=[
            pltpu.VMEM((TR, TR), jnp.float32),
            pltpu.VMEM((E, 1), jnp.float32),
            pltpu.VMEM((E, 1), jnp.float32),
        ],
        compiler_params=pltpu.CompilerParams(
            dimension_semantics=("arbitrary",)),
    )(h, tok_emb, ln_g.reshape(1, H),
      ln_b.reshape(1, H), Wg, bg.reshape(1, DG), Wf, bf.reshape(1, FM),
      Wr, br.reshape(1, E))



WROW = H + 128


def _dispatch_body(h_hbm, idx_hbm, rank_hbm, po_hbm, coef_hbm,
                   xs_hbm, dest_hbm,
                   idx_v, rank_v, po_v, dest_v, coef_v, rows_v,
                   sem):
    wid = lax.axis_index("s") * NC + lax.axis_index("c")
    base = wid * TOK_W
    pltpu.sync_copy(idx_hbm.at[pl.ds(base, TOK_W)], idx_v)
    pltpu.sync_copy(rank_hbm.at[pl.ds(base, TOK_W)], rank_v)
    pltpu.sync_copy(po_hbm, po_v)
    pltpu.sync_copy(coef_hbm.at[pl.ds(base, TOK_W)], coef_v)
    for j in range(TOK_W // 16):
        e16 = idx_v[pl.ds(j * 16, 16)]
        r16 = rank_v[pl.ds(j * 16, 16)]
        off = plsc.load_gather(po_v, [e16])
        dest_v[pl.ds(j * 16, 16)] = off + r16

    def rep_body(r, carry):
        s16 = plsc.load_gather(coef_v, [jnp.zeros((16,), jnp.int32) + r])
        rows_v[r, pl.ds(H, 16)] = s16
        return carry

    lax.fori_loop(0, TOK_W, rep_body, 0)
    pltpu.sync_copy(h_hbm.at[pl.ds(base, TOK_W)], rows_v.at[:, pl.ds(0, H)])
    pltpu.async_copy(rows_v, xs_hbm.at[dest_v], sem).wait()
    pltpu.sync_copy(dest_v, dest_hbm.at[pl.ds(base, TOK_W)])


def _dispatch_call(h, top_idx, rank, po, coef):
    mesh = plsc.VectorSubcoreMesh(core_axis_name="c", subcore_axis_name="s",
                                  num_cores=NC, num_subcores=NS)
    f = pl.kernel(
        _dispatch_body,
        out_type=(
            jax.ShapeDtypeStruct((P, WROW), jnp.float32),
            jax.ShapeDtypeStruct((N,), jnp.int32),
        ),
        mesh=mesh,
        scratch_types=[
            pltpu.VMEM((TOK_W,), jnp.int32),
            pltpu.VMEM((TOK_W,), jnp.int32),
            pltpu.VMEM((E,), jnp.int32),
            pltpu.VMEM((TOK_W,), jnp.int32),
            pltpu.VMEM((TOK_W,), jnp.float32),
            pltpu.VMEM((TOK_W, WROW), jnp.float32),
            pltpu.SemaphoreType.DMA,
        ],
        compiler_params=pltpu.CompilerParams(needs_layout_passes=False),
    )
    return f(h, top_idx, rank, po, coef)



def _ffn_body(te_ref, tpt_ref, x_ref, w1_ref, b1_ref, w2_ref, b2_ref,
              y_ref, w1b, w2b, preve):
    t = pl.program_id(0)

    @pl.when(t < tpt_ref[0])
    def _():
        x = x_ref[:, :H]
        cf = x_ref[:, H:H + 1]
        e = te_ref[t]
        hmid = _gelu(jnp.dot(x, w1_ref[0],
                             preferred_element_type=jnp.float32)
                     + b1_ref[pl.ds(e, 1), :])
        y = (jnp.dot(hmid, w2_ref[0],
                     preferred_element_type=jnp.float32)
             + b2_ref[pl.ds(e, 1), :])
        y_ref[...] = x + cf * y


def _ffn_call(xs, W1, b1, W2, b2, te, tpt):
    def xmap(t, te_ref, tpt_ref):
        return (jnp.minimum(t, tpt_ref[0] - 1), 0)

    def emap3(t, te_ref, tpt_ref):
        return (te_ref[t], 0, 0)

    grid_spec = pltpu.PrefetchScalarGridSpec(
        num_scalar_prefetch=2,
        grid=(NTF,),
        in_specs=[
            pl.BlockSpec((TF, WROW), xmap),
            pl.BlockSpec((1, H, FF), emap3),
            pl.BlockSpec((E, FF), lambda t, te_ref, tpt_ref: (0, 0)),
            pl.BlockSpec((1, FF, H), emap3),
            pl.BlockSpec((E, H), lambda t, te_ref, tpt_ref: (0, 0)),
        ],
        out_specs=pl.BlockSpec((TF, H), xmap),
        scratch_shapes=[
            pltpu.VMEM((H, FF), jnp.bfloat16),
            pltpu.VMEM((FF, H), jnp.bfloat16),
            pltpu.SMEM((1,), jnp.int32),
        ],
    )
    return pl.pallas_call(
        _ffn_body,
        grid_spec=grid_spec,
        out_shape=jax.ShapeDtypeStruct((P, H), jnp.float32),
        compiler_params=pltpu.CompilerParams(
            dimension_semantics=("arbitrary",)),
    )(te, tpt, xs, W1, b1, W2, b2)



def _combine_body(ys_hbm, dest_hbm, out_hbm, destc_v, yv, sem):
    wid = lax.axis_index("s") * NC + lax.axis_index("c")
    base = wid * TOK_W
    pltpu.sync_copy(dest_hbm.at[pl.ds(base, TOK_W)], destc_v)
    pltpu.async_copy(ys_hbm.at[destc_v], yv, sem).wait()
    pltpu.sync_copy(yv, out_hbm.at[pl.ds(base, TOK_W)])


def _combine_call(ys, dest):
    mesh = plsc.VectorSubcoreMesh(core_axis_name="c", subcore_axis_name="s",
                                  num_cores=NC, num_subcores=NS)
    f = pl.kernel(
        _combine_body,
        out_type=jax.ShapeDtypeStruct((N, H), jnp.float32),
        mesh=mesh,
        scratch_types=[
            pltpu.VMEM((TOK_W,), jnp.int32),
            pltpu.VMEM((TOK_W, H), jnp.float32),
            pltpu.SemaphoreType.DMA,
        ],
        compiler_params=pltpu.CompilerParams(needs_layout_passes=False),
    )
    return f(ys, dest)



def kernel(h, tok_emb, is_mask, ln_g, ln_b, Wg, bg, Wf, bf, Wr, br, W1, b1, W2, b2):
    top_idx, coef, rank, po, te, tpt, lb = _router_call(
        h, tok_emb, ln_g, ln_b, Wg, bg, Wf, bf, Wr, br)
    xs, dest = _dispatch_call(h, top_idx, rank, po, coef)
    ys = _ffn_call(xs, W1, b1, W2, b2, te, tpt)
    h_out = _combine_call(ys, dest)
    return (h_out, lb.reshape(()))

# --- scband reference (transcript-rebuilt; emitter-appended) ---
"""Pipeline reference for scband-odesign-complex-model-22325240005469 (READ-ONLY COPY).

The authoritative reference and input builder live on the scoring server;
editing this copy changes nothing except your own understanding.
"""

import jax, jax.numpy as jnp
import numpy as np

N = 4096
H = 768
DS = 32
DG = 32
FM = 64
E = 8
FF = 1536  # int(2.0 * H)
TEMP = 1.0
MASK_BIAS = -2.0
RES_SCALE = 1.0 / np.sqrt(E)


def _xavier(key, shape):
    fan_in, fan_out = shape[-2], shape[-1]
    limit = float(np.sqrt(6.0 / (fan_in + fan_out)))
    return jax.random.uniform(key, shape, jnp.float32, -limit, limit)


def setup_inputs(seed: int = 0) -> dict:
    key = jax.random.key(seed)
    ks = jax.random.split(key, 12)
    h = jax.random.normal(ks[0], (N, H), jnp.float32)
    tok_emb = jax.random.normal(ks[1], (N, DS), jnp.float32)
    is_mask = jax.random.randint(ks[2], (N,), 0, 2).astype(jnp.bool_)
    return {
        'h': h,
        'tok_emb': tok_emb,
        'is_mask': is_mask,
        'ln_g': jnp.ones((H,), jnp.float32),
        'ln_b': jnp.zeros((H,), jnp.float32),
        'Wg': _xavier(ks[3], (H, DG)),
        'bg': jnp.zeros((DG,), jnp.float32),
        'Wf': _xavier(ks[4], (DS + DG, FM)),
        'bf': jnp.zeros((FM,), jnp.float32),
        'Wr': _xavier(ks[5], (FM, E)),
        'br': jnp.zeros((E,), jnp.float32),
        'W1': _xavier(ks[6], (E, H, FF)),
        'b1': jnp.zeros((E, FF), jnp.float32),
        'W2': _xavier(ks[7], (E, FF, H)),
        'b2': jnp.zeros((E, H), jnp.float32),
    }


def reference(h, tok_emb, is_mask, ln_g, ln_b, Wg, bg, Wf, bf, Wr, br, W1, b1, W2, b2):
    # pre_ln (torch LayerNorm, eps=1e-5, biased variance)
    mu = jnp.mean(h, axis=-1, keepdims=True)
    var = jnp.var(h, axis=-1, keepdims=True)
    h_ln = (h - mu) / jnp.sqrt(var + 1e-5) * ln_g + ln_b
    # geom_proj
    g = jax.nn.gelu(h_ln @ Wg + bg, approximate=False)
    cond = jnp.concatenate([tok_emb, g], axis=-1)
    # fuse -> router
    u = jax.nn.gelu(cond @ Wf + bf, approximate=False)
    logits = u @ Wr + br
    logits = logits + is_mask.astype(jnp.float32)[:, None] * MASK_BIAS
    probs = jax.nn.softmax(logits / max(TEMP, 1e-6), axis=-1)
    # top-1 routing
    top_idx = jnp.argmax(probs, axis=-1)
    top_prob = jnp.max(probs, axis=-1)
    # expert FFNs (dropout disabled); evaluate all experts, select per token
    hidden = jax.nn.gelu(jnp.einsum('nh,ehf->enf', h, W1) + b1[:, None, :], approximate=False)
    all_out = jnp.einsum('enf,efh->enh', hidden, W2) + b2[:, None, :]
    y = jnp.take_along_axis(all_out, top_idx[None, :, None], axis=0)[0]
    h_out = h + RES_SCALE * (top_prob[:, None] * y)
    # load balance aux loss
    importance = probs.sum(axis=0)
    load = jnp.bincount(top_idx, length=E).astype(jnp.float32)
    lb_loss = E * (importance * load).sum() / (N * N + 1e-8)
    return (h_out, lb_loss)

if __name__ == "__main__":
    import jax
    _d = setup_inputs()
    print(jax.jit(kernel)(*tuple(_d.values())))

</pallas_src>

<mosaic_0001>
#map = affine_map<(d0, d1) -> (0, 0)>
#map1 = affine_map<(d0, d1) -> (0)>
module attributes {stable_mosaic.version = 14 : i64} {
  func.func @_dispatch_body(%arg0: i32, %arg1: i32, %arg2: memref<4096x768xf32, #tpu.memory_space<hbm>>, %arg3: memref<4096xi32, #tpu.memory_space<hbm>>, %arg4: memref<4096xi32, #tpu.memory_space<hbm>>, %arg5: memref<8xi32, #tpu.memory_space<hbm>>, %arg6: memref<4096xf32, #tpu.memory_space<hbm>>, %arg7: memref<7680x896xf32, #tpu.memory_space<hbm>>, %arg8: memref<4096xi32, #tpu.memory_space<hbm>>, %arg9: memref<128xi32, #tpu.memory_space<vmem>>, %arg10: memref<128xi32, #tpu.memory_space<vmem>>, %arg11: memref<8xi32, #tpu.memory_space<vmem>>, %arg12: memref<128xi32, #tpu.memory_space<vmem>>, %arg13: memref<128xf32, #tpu.memory_space<vmem>>, %arg14: memref<128x896xf32, #tpu.memory_space<vmem>>, %arg15: memref<!tpu.dma_semaphore, #tpu.memory_space<semaphore_mem>>) attributes {dimension_semantics = [#tpu.dimension_semantics<core_parallel>, #tpu.dimension_semantics<subcore_parallel>], iteration_bounds = array<i64: 2, 16>, scalar_prefetch = 0 : i64, scratch_operands = 7 : i64, tpu.core_type = #tpu.core_type<sc_vector_subcore>, window_params = [{transform_indices = #map}, {transform_indices = #map1}, {transform_indices = #map1}, {transform_indices = #map1}, {transform_indices = #map1}, {transform_indices = #map}, {transform_indices = #map1}]} {
    %mul3A = arith.constant 2 : i32
    %mul3A_0 = arith.muli %arg1, %mul3A : i32
    %add3A = arith.addi %mul3A_0, %arg0 : i32
    %mul3A_1 = arith.constant 128 : i32
    %mul3A_2 = arith.muli %add3A, %mul3A_1 : i32
    "tpu.region"() ({
      %run_scoped3A = tpu.sem_alloc : memref<!tpu.dma_semaphore, #tpu.memory_space<semaphore_mem>>
      %dma_start3A_73 = tpu.memref_slice %arg3[%mul3A_2] : memref<4096xi32, #tpu.memory_space<hbm>> -> memref<128xi32, #tpu.memory_space<hbm>>
      %dma_start3A_74 = tpu.memref_slice %arg3[%mul3A_2] : memref<4096xi32, #tpu.memory_space<hbm>> -> memref<128xi32, #tpu.memory_space<hbm>>
      tpu.enqueue_dma source(%dma_start3A_74 : memref<128xi32, #tpu.memory_space<hbm>>) target(%arg9 : memref<128xi32, #tpu.memory_space<vmem>>) target_semaphore(%run_scoped3A : memref<!tpu.dma_semaphore, #tpu.memory_space<semaphore_mem>>)
      %dma_wait3A_75 = tpu.memref_slice %arg3[%mul3A_2] : memref<4096xi32, #tpu.memory_space<hbm>> -> memref<128xi32, #tpu.memory_space<hbm>>
      %dma_wait3A_76 = tpu.memref_slice %arg3[%mul3A_2] : memref<4096xi32, #tpu.memory_space<hbm>> -> memref<128xi32, #tpu.memory_space<hbm>>
      tpu.wait_dma2 semaphore(%run_scoped3A : memref<!tpu.dma_semaphore, #tpu.memory_space<semaphore_mem>>) src(%dma_wait3A_76 : memref<128xi32, #tpu.memory_space<hbm>>) dst(%arg9 : memref<128xi32, #tpu.memory_space<vmem>>)
      tpu.yield
    }) : () -> ()
    "tpu.region"() ({
      %run_scoped3A = tpu.sem_alloc : memref<!tpu.dma_semaphore, #tpu.memory_space<semaphore_mem>>
      %dma_start3A_73 = tpu.memref_slice %arg4[%mul3A_2] : memref<4096xi32, #tpu.memory_space<hbm>> -> memref<128xi32, #tpu.memory_space<hbm>>
      %dma_start3A_74 = tpu.memref_slice %arg4[%mul3A_2] : memref<4096xi32, #tpu.memory_space<hbm>> -> memref<128xi32, #tpu.memory_space<hbm>>
      tpu.enqueue_dma source(%dma_start3A_74 : memref<128xi32, #tpu.memory_space<hbm>>) target(%arg10 : memref<128xi32, #tpu.memory_space<vmem>>) target_semaphore(%run_scoped3A : memref<!tpu.dma_semaphore, #tpu.memory_space<semaphore_mem>>)
      %dma_wait3A_75 = tpu.memref_slice %arg4[%mul3A_2] : memref<4096xi32, #tpu.memory_space<hbm>> -> memref<128xi32, #tpu.memory_space<hbm>>
      %dma_wait3A_76 = tpu.memref_slice %arg4[%mul3A_2] : memref<4096xi32, #tpu.memory_space<hbm>> -> memref<128xi32, #tpu.memory_space<hbm>>
      tpu.wait_dma2 semaphore(%run_scoped3A : memref<!tpu.dma_semaphore, #tpu.memory_space<semaphore_mem>>) src(%dma_wait3A_76 : memref<128xi32, #tpu.memory_space<hbm>>) dst(%arg10 : memref<128xi32, #tpu.memory_space<vmem>>)
      tpu.yield
    }) : () -> ()
    "tpu.region"() ({
      %run_scoped3A = tpu.sem_alloc : memref<!tpu.dma_semaphore, #tpu.memory_space<semaphore_mem>>
      tpu.enqueue_dma source(%arg5 : memref<8xi32, #tpu.memory_space<hbm>>) target(%arg11 : memref<8xi32, #tpu.memory_space<vmem>>) target_semaphore(%run_scoped3A : memref<!tpu.dma_semaphore, #tpu.memory_space<semaphore_mem>>)
      tpu.wait_dma2 semaphore(%run_scoped3A : memref<!tpu.dma_semaphore, #tpu.memory_space<semaphore_mem>>) src(%arg5 : memref<8xi32, #tpu.memory_space<hbm>>) dst(%arg11 : memref<8xi32, #tpu.memory_space<vmem>>)
      tpu.yield
    }) : () -> ()
    "tpu.region"() ({
      %run_scoped3A = tpu.sem_alloc : memref<!tpu.dma_semaphore, #tpu.memory_space<semaphore_mem>>
      %dma_start3A_73 = tpu.memref_slice %arg6[%mul3A_2] : memref<4096xf32, #tpu.memory_space<hbm>> -> memref<128xf32, #tpu.memory_space<hbm>>
      %dma_start3A_74 = tpu.memref_slice %arg6[%mul3A_2] : memref<4096xf32, #tpu.memory_space<hbm>> -> memref<128xf32, #tpu.memory_space<hbm>>
      tpu.enqueue_dma source(%dma_start3A_74 : memref<128xf32, #tpu.memory_space<hbm>>) target(%arg13 : memref<128xf32, #tpu.memory_space<vmem>>) target_semaphore(%run_scoped3A : memref<!tpu.dma_semaphore, #tpu.memory_space<semaphore_mem>>)
      %dma_wait3A_75 = tpu.memref_slice %arg6[%mul3A_2] : memref<4096xf32, #tpu.memory_space<hbm>> -> memref<128xf32, #tpu.memory_space<hbm>>
      %dma_wait3A_76 = tpu.memref_slice %arg6[%mul3A_2] : memref<4096xf32, #tpu.memory_space<hbm>> -> memref<128xf32, #tpu.memory_space<hbm>>
      tpu.wait_dma2 semaphore(%run_scoped3A : memref<!tpu.dma_semaphore, #tpu.memory_space<semaphore_mem>>) src(%dma_wait3A_76 : memref<128xf32, #tpu.memory_space<hbm>>) dst(%arg13 : memref<128xf32, #tpu.memory_space<vmem>>)
      tpu.yield
    }) : () -> ()
    %get3A = arith.constant 0 : index
    %get3A_3 = tpu.vector_load %arg9[%get3A] {strides = array<i32>} : memref<128xi32, #tpu.memory_space<vmem>>, vector<16xi32>,
    %get3A_4 = arith.constant 0 : index
    %get3A_5 = tpu.vector_load %arg10[%get3A_4] {strides = array<i32>} : memref<128xi32, #tpu.memory_space<vmem>>, vector<16xi32>,
    %gather3A = tpu.vector_load_idx %arg11[%get3A_3] : memref<8xi32, #tpu.memory_space<vmem>>[vector<16xi32>], vector<16xi32>,
    %add3A_6 = arith.addi %gather3A, %get3A_5 : vector<16xi32>
    %swap3A = arith.constant 0 : index
    %swap3A_7 = tpu.vector_load %arg12[%swap3A] {strides = array<i32>} : memref<128xi32, #tpu.memory_space<vmem>>, vector<16xi32>,
    tpu.vector_store %arg12[%swap3A], %add3A_6 {strides = array<i32>} : memref<128xi32, #tpu.memory_space<vmem>>, vector<16xi32>,
    %get3A_8 = arith.constant 16 : index
    %get3A_9 = tpu.vector_load %arg9[%get3A_8] {strides = array<i32>} : memref<128xi32, #tpu.memory_space<vmem>>, vector<16xi32>,
    %get3A_10 = arith.constant 16 : index
    %get3A_11 = tpu.vector_load %arg10[%get3A_10] {strides = array<i32>} : memref<128xi32, #tpu.memory_space<vmem>>, vector<16xi32>,
    %gather3A_12 = tpu.vector_load_idx %arg11[%get3A_9] : memref<8xi32, #tpu.memory_space<vmem>>[vector<16xi32>], vector<16xi32>,
    %add3A_13 = arith.addi %gather3A_12, %get3A_11 : vector<16xi32>
    %swap3A_14 = arith.constant 16 : index
    %swap3A_15 = tpu.vector_load %arg12[%swap3A_14] {strides = array<i32>} : memref<128xi32, #tpu.memory_space<vmem>>, vector<16xi32>,
    tpu.vector_store %arg12[%swap3A_14], %add3A_13 {strides = array<i32>} : memref<128xi32, #tpu.memory_space<vmem>>, vector<16xi32>,
    %get3A_16 = arith.constant 32 : index
    %get3A_17 = tpu.vector_load %arg9[%get3A_16] {strides = array<i32>} : memref<128xi32, #tpu.memory_space<vmem>>, vector<16xi32>,
    %get3A_18 = arith.constant 32 : index
    %get3A_19 = tpu.vector_load %arg10[%get3A_18] {strides = array<i32>} : memref<128xi32, #tpu.memory_space<vmem>>, vector<16xi32>,
    %gather3A_20 = tpu.vector_load_idx %arg11[%get3A_17] : memref<8xi32, #tpu.memory_space<vmem>>[vector<16xi32>], vector<16xi32>,
    %add3A_21 = arith.addi %gather3A_20, %get3A_19 : vector<16xi32>
    %swap3A_22 = arith.constant 32 : index
    %swap3A_23 = tpu.vector_load %arg12[%swap3A_22] {strides = array<i32>} : memref<128xi32, #tpu.memory_space<vmem>>, vector<16xi32>,
    tpu.vector_store %arg12[%swap3A_22], %add3A_21 {strides = array<i32>} : memref<128xi32, #tpu.memory_space<vmem>>, vector<16xi32>,
    %get3A_24 = arith.constant 48 : index
    %get3A_25 = tpu.vector_load %arg9[%get3A_24] {strides = array<i32>} : memref<128xi32, #tpu.memory_space<vmem>>, vector<16xi32>,
    %get3A_26 = arith.constant 48 : index
    %get3A_27 = tpu.vector_load %arg10[%get3A_26] {strides = array<i32>} : memref<128xi32, #tpu.memory_space<vmem>>, vector<16xi32>,
    %gather3A_28 = tpu.vector_load_idx %arg11[%get3A_25] : memref<8xi32, #tpu.memory_space<vmem>>[vector<16xi32>], vector<16xi32>,
    %add3A_29 = arith.addi %gather3A_28, %get3A_27 : vector<16xi32>
    %swap3A_30 = arith.constant 48 : index
    %swap3A_31 = tpu.vector_load %arg12[%swap3A_30] {strides = array<i32>} : memref<128xi32, #tpu.memory_space<vmem>>, vector<16xi32>,
    tpu.vector_store %arg12[%swap3A_30], %add3A_29 {strides = array<i32>} : memref<128xi32, #tpu.memory_space<vmem>>, vector<16xi32>,
    %get3A_32 = arith.constant 64 : index
    %get3A_33 = tpu.vector_load %arg9[%get3A_32] {strides = array<i32>} : memref<128xi32, #tpu.memory_space<vmem>>, vector<16xi32>,
    %get3A_34 = arith.constant 64 : index
    %get3A_35 = tpu.vector_load %arg10[%get3A_34] {strides = array<i32>} : memref<128xi32, #tpu.memory_space<vmem>>, vector<16xi32>,
    %gather3A_36 = tpu.vector_load_idx %arg11[%get3A_33] : memref<8xi32, #tpu.memory_space<vmem>>[vector<16xi32>], vector<16xi32>,
    %add3A_37 = arith.addi %gather3A_36, %get3A_35 : vector<16xi32>
    %swap3A_38 = arith.constant 64 : index
    %swap3A_39 = tpu.vector_load %arg12[%swap3A_38] {strides = array<i32>} : memref<128xi32, #tpu.memory_space<vmem>>, vector<16xi32>,
    tpu.vector_store %arg12[%swap3A_38], %add3A_37 {strides = array<i32>} : memref<128xi32, #tpu.memory_space<vmem>>, vector<16xi32>,
    %get3A_40 = arith.constant 80 : index
    %get3A_41 = tpu.vector_load %arg9[%get3A_40] {strides = array<i32>} : memref<128xi32, #tpu.memory_space<vmem>>, vector<16xi32>,
    %get3A_42 = arith.constant 80 : index
    %get3A_43 = tpu.vector_load %arg10[%get3A_42] {strides = array<i32>} : memref<128xi32, #tpu.memory_space<vmem>>, vector<16xi32>,
    %gather3A_44 = tpu.vector_load_idx %arg11[%get3A_41] : memref<8xi32, #tpu.memory_space<vmem>>[vector<16xi32>], vector<16xi32>,
    %add3A_45 = arith.addi %gather3A_44, %get3A_43 : vector<16xi32>
    %swap3A_46 = arith.constant 80 : index
    %swap3A_47 = tpu.vector_load %arg12[%swap3A_46] {strides = array<i32>} : memref<128xi32, #tpu.memory_space<vmem>>, vector<16xi32>,
    tpu.vector_store %arg12[%swap3A_46], %add3A_45 {strides = array<i32>} : memref<128xi32, #tpu.memory_space<vmem>>, vector<16xi32>,
    %get3A_48 = arith.constant 96 : index
    %get3A_49 = tpu.vector_load %arg9[%get3A_48] {strides = array<i32>} : memref<128xi32, #tpu.memory_space<vmem>>, vector<16xi32>,
    %get3A_50 = arith.constant 96 : index
    %get3A_51 = tpu.vector_load %arg10[%get3A_50] {strides = array<i32>} : memref<128xi32, #tpu.memory_space<vmem>>, vector<16xi32>,
    %gather3A_52 = tpu.vector_load_idx %arg11[%get3A_49] : memref<8xi32, #tpu.memory_space<vmem>>[vector<16xi32>], vector<16xi32>,
    %add3A_53 = arith.addi %gather3A_52, %get3A_51 : vector<16xi32>
    %swap3A_54 = arith.constant 96 : index
    %swap3A_55 = tpu.vector_load %arg12[%swap3A_54] {strides = array<i32>} : memref<128xi32, #tpu.memory_space<vmem>>, vector<16xi32>,
    tpu.vector_store %arg12[%swap3A_54], %add3A_53 {strides = array<i32>} : memref<128xi32, #tpu.memory_space<vmem>>, vector<16xi32>,
    %get3A_56 = arith.constant 112 : index
    %get3A_57 = tpu.vector_load %arg9[%get3A_56] {strides = array<i32>} : memref<128xi32, #tpu.memory_space<vmem>>, vector<16xi32>,
    %get3A_58 = arith.constant 112 : index
    %get3A_59 = tpu.vector_load %arg10[%get3A_58] {strides = array<i32>} : memref<128xi32, #tpu.memory_space<vmem>>, vector<16xi32>,
    %gather3A_60 = tpu.vector_load_idx %arg11[%get3A_57] : memref<8xi32, #tpu.memory_space<vmem>>[vector<16xi32>], vector<16xi32>,
    %add3A_61 = arith.addi %gather3A_60, %get3A_59 : vector<16xi32>
    %swap3A_62 = arith.constant 112 : index
    %swap3A_63 = tpu.vector_load %arg12[%swap3A_62] {strides = array<i32>} : memref<128xi32, #tpu.memory_space<vmem>>, vector<16xi32>,
    tpu.vector_store %arg12[%swap3A_62], %add3A_61 {strides = array<i32>} : memref<128xi32, #tpu.memory_space<vmem>>, vector<16xi32>,
    %scan3A = arith.constant 0 : i32
    %scan3A_64 = arith.constant 0 : i32
    %scan3A_65 = arith.constant 128 : i32
    %scan3A_66 = arith.addi %scan3A_64, %scan3A_65 : i32
    %scan3A_67 = arith.constant 1 : i32
    scf.for %scan3A_73 = %scan3A_64 to %scan3A_66 step %scan3A_67  : i32 {
      %broadcast_in_dim3A = arith.constant 0 : i32
      %broadcast_in_dim3A_74 = vector.broadcast %broadcast_in_dim3A : i32 to vector<16xi32>
      %add3A_75 = vector.broadcast %scan3A_73 : i32 to vector<16xi32>
      %add3A_76 = arith.addi %broadcast_in_dim3A_74, %add3A_75 : vector<16xi32>
      %gather3A_77 = tpu.vector_load_idx %arg13[%add3A_76] : memref<128xf32, #tpu.memory_space<vmem>>[vector<16xi32>], vector<16xf32>,
      %swap3A_78 = arith.index_cast %scan3A_73 : i32 to index
      %swap3A_79 = arith.constant 768 : index
      %swap3A_80 = tpu.vector_load %arg14[%swap3A_78, %swap3A_79] {strides = array<i32>} : memref<128x896xf32, #tpu.memory_space<vmem>>, vector<16xf32>,
      tpu.vector_store %arg14[%swap3A_78, %swap3A_79], %gather3A_77 {strides = array<i32>} : memref<128x896xf32, #tpu.memory_space<vmem>>, vector<16xf32>,
    }
    %scan3A_68 = arith.constant 128 : i32
    "tpu.region"() ({
      %run_scoped3A = tpu.sem_alloc : memref<!tpu.dma_semaphore, #tpu.memory_space<semaphore_mem>>
      %dma_start3A_73 = arith.constant 0 : i32
      %dma_start3A_74 = arith.constant 0 : i32
      %dma_start3A_75 = tpu.memref_slice %arg14[%dma_start3A_73, %dma_start3A_74] : memref<128x896xf32, #tpu.memory_space<vmem>> -> memref<128x768xf32, #tpu.memory_space<vmem>>
      %dma_start3A_76 = arith.constant 0 : i32
      %dma_start3A_77 = tpu.memref_slice %arg2[%mul3A_2, %dma_start3A_76] : memref<4096x768xf32, #tpu.memory_space<hbm>> -> memref<128x768xf32, #tpu.memory_space<hbm>>
      %dma_start3A_78 = arith.constant 0 : i32
      %dma_start3A_79 = arith.constant 0 : i32
      %dma_start3A_80 = tpu.memref_slice %arg14[%dma_start3A_78, %dma_start3A_79] : memref<128x896xf32, #tpu.memory_space<vmem>> -> memref<128x768xf32, #tpu.memory_space<vmem>>
      %dma_start3A_81 = arith.constant 0 : i32
      %dma_start3A_82 = tpu.memref_slice %arg2[%mul3A_2, %dma_start3A_81] : memref<4096x768xf32, #tpu.memory_space<hbm>> -> memref<128x768xf32, #tpu.memory_space<hbm>>
      tpu.enqueue_dma source(%dma_start3A_82 : memref<128x768xf32, #tpu.memory_space<hbm>>) target(%dma_start3A_80 : memref<128x768xf32, #tpu.memory_space<vmem>>) target_semaphore(%run_scoped3A : memref<!tpu.dma_semaphore, #tpu.memory_space<semaphore_mem>>)
      %dma_wait3A_83 = arith.constant 0 : i32
      %dma_wait3A_84 = arith.constant 0 : i32
      %dma_wait3A_85 = tpu.memref_slice %arg14[%dma_wait3A_83, %dma_wait3A_84] : memref<128x896xf32, #tpu.memory_space<vmem>> -> memref<128x768xf32, #tpu.memory_space<vmem>>
      %dma_wait3A_86 = arith.constant 0 : i32
      %dma_wait3A_87 = tpu.memref_slice %arg2[%mul3A_2, %dma_wait3A_86] : memref<4096x768xf32, #tpu.memory_space<hbm>> -> memref<128x768xf32, #tpu.memory_space<hbm>>
      %dma_wait3A_88 = arith.constant 0 : i32
      %dma_wait3A_89 = arith.constant 0 : i32
      %dma_wait3A_90 = tpu.memref_slice %arg14[%dma_wait3A_88, %dma_wait3A_89] : memref<128x896xf32, #tpu.memory_space<vmem>> -> memref<128x768xf32, #tpu.memory_space<vmem>>
      %dma_wait3A_91 = arith.constant 0 : i32
      %dma_wait3A_92 = tpu.memref_slice %arg2[%mul3A_2, %dma_wait3A_91] : memref<4096x768xf32, #tpu.memory_space<hbm>> -> memref<128x768xf32, #tpu.memory_space<hbm>>
      tpu.wait_dma2 semaphore(%run_scoped3A : memref<!tpu.dma_semaphore, #tpu.memory_space<semaphore_mem>>) src(%dma_wait3A_92 : memref<128x768xf32, #tpu.memory_space<hbm>>) dst(%dma_wait3A_90 : memref<128x768xf32, #tpu.memory_space<vmem>>)
      tpu.yield
    }) : () -> ()
    %dma_start3A = arith.constant 0 : i32
    %dma_start3A_69 = arith.constant 0 : i32
    %dma_start3A_70 = tpu.memref_slice %arg7[%dma_start3A, %dma_start3A_69] : memref<7680x896xf32, #tpu.memory_space<hbm>> -> memref<7680x896xf32, #tpu.memory_space<hbm>>
    tpu.enqueue_indirect_dma source(%arg14 : memref<128x896xf32, #tpu.memory_space<vmem>>) target(%dma_start3A_70 : memref<7680x896xf32, #tpu.memory_space<hbm>>) offsets(%arg12 : memref<128xi32, #tpu.memory_space<vmem>>) semaphore(%arg15 : memref<!tpu.dma_semaphore, #tpu.memory_space<semaphore_mem>>)
    %dma_wait3A = arith.constant 0 : i32
    %dma_wait3A_71 = arith.constant 0 : i32
    %dma_wait3A_72 = tpu.memref_slice %arg7[%dma_wait3A, %dma_wait3A_71] : memref<7680x896xf32, #tpu.memory_space<hbm>> -> memref<7680x896xf32, #tpu.memory_space<hbm>>
    tpu.wait_indirect_dma semaphore(%arg15 : memref<!tpu.dma_semaphore, #tpu.memory_space<semaphore_mem>>) src(%arg14 : memref<128x896xf32, #tpu.memory_space<vmem>>) dst(%dma_wait3A_72 : memref<7680x896xf32, #tpu.memory_space<hbm>>)
    "tpu.region"() ({
      %run_scoped3A = tpu.sem_alloc : memref<!tpu.dma_semaphore, #tpu.memory_space<semaphore_mem>>
      %dma_start3A_73 = tpu.memref_slice %arg8[%mul3A_2] : memref<4096xi32, #tpu.memory_space<hbm>> -> memref<128xi32, #tpu.memory_space<hbm>>
      %dma_start3A_74 = tpu.memref_slice %arg8[%mul3A_2] : memref<4096xi32, #tpu.memory_space<hbm>> -> memref<128xi32, #tpu.memory_space<hbm>>
      tpu.enqueue_dma source(%arg12 : memref<128xi32, #tpu.memory_space<vmem>>) target(%dma_start3A_74 : memref<128xi32, #tpu.memory_space<hbm>>) target_semaphore(%run_scoped3A : memref<!tpu.dma_semaphore, #tpu.memory_space<semaphore_mem>>)
      %dma_wait3A_75 = tpu.memref_slice %arg8[%mul3A_2] : memref<4096xi32, #tpu.memory_space<hbm>> -> memref<128xi32, #tpu.memory_space<hbm>>
      %dma_wait3A_76 = tpu.memref_slice %arg8[%mul3A_2] : memref<4096xi32, #tpu.memory_space<hbm>> -> memref<128xi32, #tpu.memory_space<hbm>>
      tpu.wait_dma2 semaphore(%run_scoped3A : memref<!tpu.dma_semaphore, #tpu.memory_space<semaphore_mem>>) src(%arg12 : memref<128xi32, #tpu.memory_space<vmem>>) dst(%dma_wait3A_76 : memref<128xi32, #tpu.memory_space<hbm>>)
      tpu.yield
    }) : () -> ()
    return
  }
}

#map = affine_map<(d0, d1) -> (0, 0)>
#map1 = affine_map<(d0, d1) -> (0)>
module attributes {stable_mosaic.version = 14 : i64} {
  func.func @_combine_body(%arg0: i32, %arg1: i32, %arg2: memref<7680x768xf32, #tpu.memory_space<hbm>>, %arg3: memref<4096xi32, #tpu.memory_space<hbm>>, %arg4: memref<4096x768xf32, #tpu.memory_space<hbm>>, %arg5: memref<128xi32, #tpu.memory_space<vmem>>, %arg6: memref<128x768xf32, #tpu.memory_space<vmem>>, %arg7: memref<!tpu.dma_semaphore, #tpu.memory_space<semaphore_mem>>) attributes {dimension_semantics = [#tpu.dimension_semantics<core_parallel>, #tpu.dimension_semantics<subcore_parallel>], iteration_bounds = array<i64: 2, 16>, scalar_prefetch = 0 : i64, scratch_operands = 3 : i64, tpu.core_type = #tpu.core_type<sc_vector_subcore>, window_params = [{transform_indices = #map}, {transform_indices = #map1}, {transform_indices = #map}]} {
    %mul3A = arith.constant 2 : i32
    %mul3A_0 = arith.muli %arg1, %mul3A : i32
    %add3A = arith.addi %mul3A_0, %arg0 : i32
    %mul3A_1 = arith.constant 128 : i32
    %mul3A_2 = arith.muli %add3A, %mul3A_1 : i32
    "tpu.region"() ({
      %run_scoped3A = tpu.sem_alloc : memref<!tpu.dma_semaphore, #tpu.memory_space<semaphore_mem>>
      %dma_start3A_7 = tpu.memref_slice %arg3[%mul3A_2] : memref<4096xi32, #tpu.memory_space<hbm>> -> memref<128xi32, #tpu.memory_space<hbm>>
      %dma_start3A_8 = tpu.memref_slice %arg3[%mul3A_2] : memref<4096xi32, #tpu.memory_space<hbm>> -> memref<128xi32, #tpu.memory_space<hbm>>
      tpu.enqueue_dma source(%dma_start3A_8 : memref<128xi32, #tpu.memory_space<hbm>>) target(%arg5 : memref<128xi32, #tpu.memory_space<vmem>>) target_semaphore(%run_scoped3A : memref<!tpu.dma_semaphore, #tpu.memory_space<semaphore_mem>>)
      %dma_wait3A_9 = tpu.memref_slice %arg3[%mul3A_2] : memref<4096xi32, #tpu.memory_space<hbm>> -> memref<128xi32, #tpu.memory_space<hbm>>
      %dma_wait3A_10 = tpu.memref_slice %arg3[%mul3A_2] : memref<4096xi32, #tpu.memory_space<hbm>> -> memref<128xi32, #tpu.memory_space<hbm>>
      tpu.wait_dma2 semaphore(%run_scoped3A : memref<!tpu.dma_semaphore, #tpu.memory_space<semaphore_mem>>) src(%dma_wait3A_10 : memref<128xi32, #tpu.memory_space<hbm>>) dst(%arg5 : memref<128xi32, #tpu.memory_space<vmem>>)
      tpu.yield
    }) : () -> ()
    %dma_start3A = arith.constant 0 : i32
    %dma_start3A_3 = arith.constant 0 : i32
    %dma_start3A_4 = tpu.memref_slice %arg2[%dma_start3A, %dma_start3A_3] : memref<7680x768xf32, #tpu.memory_space<hbm>> -> memref<7680x768xf32, #tpu.memory_space<hbm>>
    tpu.enqueue_indirect_dma source(%dma_start3A_4 : memref<7680x768xf32, #tpu.memory_space<hbm>>) target(%arg6 : memref<128x768xf32, #tpu.memory_space<vmem>>) offsets(%arg5 : memref<128xi32, #tpu.memory_space<vmem>>) semaphore(%arg7 : memref<!tpu.dma_semaphore, #tpu.memory_space<semaphore_mem>>)
    %dma_wait3A = arith.constant 0 : i32
    %dma_wait3A_5 = arith.constant 0 : i32
    %dma_wait3A_6 = tpu.memref_slice %arg2[%dma_wait3A, %dma_wait3A_5] : memref<7680x768xf32, #tpu.memory_space<hbm>> -> memref<7680x768xf32, #tpu.memory_space<hbm>>
    tpu.wait_indirect_dma semaphore(%arg7 : memref<!tpu.dma_semaphore, #tpu.memory_space<semaphore_mem>>) src(%dma_wait3A_6 : memref<7680x768xf32, #tpu.memory_space<hbm>>) dst(%arg6 : memref<128x768xf32, #tpu.memory_space<vmem>>)
    "tpu.region"() ({
      %run_scoped3A = tpu.sem_alloc : memref<!tpu.dma_semaphore, #tpu.memory_space<semaphore_mem>>
      %dma_start3A_7 = arith.constant 0 : i32
      %dma_start3A_8 = tpu.memref_slice %arg4[%mul3A_2, %dma_start3A_7] : memref<4096x768xf32, #tpu.memory_space<hbm>> -> memref<128x768xf32, #tpu.memory_space<hbm>>
      %dma_start3A_9 = arith.constant 0 : i32
      %dma_start3A_10 = tpu.memref_slice %arg4[%mul3A_2, %dma_start3A_9] : memref<4096x768xf32, #tpu.memory_space<hbm>> -> memref<128x768xf32, #tpu.memory_space<hbm>>
      tpu.enqueue_dma source(%arg6 : memref<128x768xf32, #tpu.memory_space<vmem>>) target(%dma_start3A_10 : memref<128x768xf32, #tpu.memory_space<hbm>>) target_semaphore(%run_scoped3A : memref<!tpu.dma_semaphore, #tpu.memory_space<semaphore_mem>>)
      %dma_wait3A_11 = arith.constant 0 : i32
      %dma_wait3A_12 = tpu.memref_slice %arg4[%mul3A_2, %dma_wait3A_11] : memref<4096x768xf32, #tpu.memory_space<hbm>> -> memref<128x768xf32, #tpu.memory_space<hbm>>
      %dma_wait3A_13 = arith.constant 0 : i32
      %dma_wait3A_14 = tpu.memref_slice %arg4[%mul3A_2, %dma_wait3A_13] : memref<4096x768xf32, #tpu.memory_space<hbm>> -> memref<128x768xf32, #tpu.memory_space<hbm>>
      tpu.wait_dma2 semaphore(%run_scoped3A : memref<!tpu.dma_semaphore, #tpu.memory_space<semaphore_mem>>) src(%arg6 : memref<128x768xf32, #tpu.memory_space<vmem>>) dst(%dma_wait3A_14 : memref<128x768xf32, #tpu.memory_space<hbm>>)
      tpu.yield
    }) : () -> ()
    return
  }
}

module attributes {stable_mosaic.version = 14 : i64} {
  func.func @_router_body(%arg0: i32, %arg1: memref<1024x768xf32, #tpu.memory_space<vmem>>, %arg2: memref<1024x32xf32, #tpu.memory_space<vmem>>, %arg3: memref<1x768xf32, #tpu.memory_space<vmem>>, %arg4: memref<1x768xf32, #tpu.memory_space<vmem>>, %arg5: memref<768x32xf32, #tpu.memory_space<vmem>>, %arg6: memref<1x32xf32, #tpu.memory_space<vmem>>, %arg7: memref<64x64xf32, #tpu.memory_space<vmem>>, %arg8: memref<1x64xf32, #tpu.memory_space<vmem>>, %arg9: memref<64x8xf32, #tpu.memory_space<vmem>>, %arg10: memref<1x8xf32, #tpu.memory_space<vmem>>, %arg11: memref<1024xi32, #tpu.memory_space<vmem>>, %arg12: memref<1024xf32, #tpu.memory_space<vmem>>, %arg13: memref<1024xi32, #tpu.memory_space<vmem>>, %arg14: memref<8xi32, #tpu.memory_space<vmem>>, %arg15: memref<15xi32, #tpu.memory_space<vmem>>, %arg16: memref<1xi32, #tpu.memory_space<vmem>>, %arg17: memref<1xf32, #tpu.memory_space<vmem>>, %arg18: memref<1024x1024xf32, #tpu.memory_space<vmem>>, %arg19: memref<8x1xf32, #tpu.memory_space<vmem>>, %arg20: memref<8x1xf32, #tpu.memory_space<vmem>>) attributes {dimension_semantics = [#tpu.dimension_semantics<arbitrary>], iteration_bounds = array<i64: 4>, scalar_prefetch = 0 : i64, scratch_operands = 3 : i64, tpu.core_type = #tpu.core_type<tc>, window_params = [{transform_indices = @transform_0, window_bounds = array<i64: 1024, 768>}, {transform_indices = @transform_1, window_bounds = array<i64: 1024, 32>}, {pipeline_mode = #tpu.pipeline_mode<synchronous>, transform_indices = @transform_2, window_bounds = array<i64: 1, 768>}, {pipeline_mode = #tpu.pipeline_mode<synchronous>, transform_indices = @transform_3, window_bounds = array<i64: 1, 768>}, {pipeline_mode = #tpu.pipeline_mode<synchronous>, transform_indices = @transform_4, window_bounds = array<i64: 768, 32>}, {pipeline_mode = #tpu.pipeline_mode<synchronous>, transform_indices = @transform_5, window_bounds = array<i64: 1, 32>}, {pipeline_mode = #tpu.pipeline_mode<synchronous>, transform_indices = @transform_6, window_bounds = array<i64: 64, 64>}, {pipeline_mode = #tpu.pipeline_mode<synchronous>, transform_indices = @transform_7, window_bounds = array<i64: 1, 64>}, {pipeline_mode = #tpu.pipeline_mode<synchronous>, transform_indices = @transform_8, window_bounds = array<i64: 64, 8>}, {pipeline_mode = #tpu.pipeline_mode<synchronous>, transform_indices = @transform_9, window_bounds = array<i64: 1, 8>}, {transform_indices = @transform_10, window_bounds = array<i64: 1024>}, {transform_indices = @transform_11, window_bounds = array<i64: 1024>}, {transform_indices = @transform_12, window_bounds = array<i64: 1024>}, {pipeline_mode = #tpu.pipeline_mode<synchronous>, transform_indices = @transform_13, window_bounds = array<i64: 8>}, {pipeline_mode = #tpu.pipeline_mode<synchronous>, transform_indices = @transform_14, window_bounds = array<i64: 15>}, {pipeline_mode = #tpu.pipeline_mode<synchronous>, transform_indices = @transform_15, window_bounds = array<i64: 1>}, {pipeline_mode = #tpu.pipeline_mode<synchronous>, transform_indices = @transform_16, window_bounds = array<i64: 1>}]} {
    %eq3A = arith.constant 0 : i32
    %eq3A_0 = arith.cmpi eq, %arg0, %eq3A : i32
    %convert_element_type3A = arith.extui %eq3A_0 : i1 to i32
    %cond3A = arith.constant 0 : i32
    %cond3A_1 = arith.cmpi ne, %convert_element_type3A, %cond3A : i32
    scf.if %cond3A_1 {
      %broadcast_in_dim3A_150 = arith.constant 0.000000e+00 : f32
      %broadcast_in_dim3A_151 = vector.broadcast %broadcast_in_dim3A_150 : f32 to vector<8x1xf32>
      %swap3A_152 = arith.constant 0 : index
      %swap3A_153 = arith.constant 0 : index
      %swap3A_154 = vector.load %arg19[%swap3A_152, %swap3A_153] : memref<8x1xf32, #tpu.memory_space<vmem>>, vector<8x1xf32>
      tpu.vector_store %arg19[%swap3A_152, %swap3A_153], %broadcast_in_dim3A_151 {strides = array<i32>} : memref<8x1xf32, #tpu.memory_space<vmem>>, vector<8x1xf32>,
      %broadcast_in_dim3A_155 = arith.constant 0.000000e+00 : f32
      %broadcast_in_dim3A_156 = vector.broadcast %broadcast_in_dim3A_155 : f32 to vector<8x1xf32>
      %swap3A_157 = arith.constant 0 : index
      %swap3A_158 = arith.constant 0 : index
      %swap3A_159 = vector.load %arg20[%swap3A_157, %swap3A_158] : memref<8x1xf32, #tpu.memory_space<vmem>>, vector<8x1xf32>
      tpu.vector_store %arg20[%swap3A_157, %swap3A_158], %broadcast_in_dim3A_156 {strides = array<i32>} : memref<8x1xf32, #tpu.memory_space<vmem>>, vector<8x1xf32>,
      %iota3A_160 = tpu.iota {dimensions = array<i32: 0>} : vector<1024x1024xi32>
      %iota3A_161 = tpu.iota {dimensions = array<i32: 1>} : vector<1024x1024xi32>
      %lt3A = arith.cmpi slt, %iota3A_160, %iota3A_161 : vector<1024x1024xi32>
      %convert_element_type3A_162 = arith.extui %lt3A : vector<1024x1024xi1> to vector<1024x1024xi32>
      %convert_element_type3A_163 = arith.sitofp %convert_element_type3A_162 : vector<1024x1024xi32> to vector<1024x1024xf32>
      %swap3A_164 = arith.constant 0 : index
      %swap3A_165 = arith.constant 0 : index
      %swap3A_166 = vector.load %arg18[%swap3A_164, %swap3A_165] : memref<1024x1024xf32, #tpu.memory_space<vmem>>, vector<1024x1024xf32>
      tpu.vector_store %arg18[%swap3A_164, %swap3A_165], %convert_element_type3A_163 {strides = array<i32>} : memref<1024x1024xf32, #tpu.memory_space<vmem>>, vector<1024x1024xf32>,
    } else {
    }
    %get3A = arith.constant 0 : index
    %get3A_2 = arith.constant 0 : index
    %get3A_3 = vector.load %arg1[%get3A, %get3A_2] : memref<1024x768xf32, #tpu.memory_space<vmem>>, vector<1024x768xf32>
    %reduce_sum3A = arith.constant dense<0.000000e+00> : vector<1024xf32>
    %reduce_sum3A_4 = vector.multi_reduction <add>, %get3A_3, %reduce_sum3A [1] : vector<1024x768xf32> to vector<1024xf32>
    %broadcast_in_dim3A = vector.shape_cast %reduce_sum3A_4 : vector<1024xf32> to vector<1024x1xf32>
    %div3A = arith.constant 7.680000e+02 : f32
    %div3A_5 = vector.broadcast %div3A : f32 to vector<1024x1xf32>
    %div3A_6 = arith.divf %broadcast_in_dim3A, %div3A_5 : vector<1024x1xf32>
    %mul3A = arith.mulf %get3A_3, %get3A_3 : vector<1024x768xf32>
    %reduce_sum3A_7 = arith.constant dense<0.000000e+00> : vector<1024xf32>
    %reduce_sum3A_8 = vector.multi_reduction <add>, %mul3A, %reduce_sum3A_7 [1] : vector<1024x768xf32> to vector<1024xf32>
    %broadcast_in_dim3A_9 = vector.shape_cast %reduce_sum3A_8 : vector<1024xf32> to vector<1024x1xf32>
    %div3A_10 = arith.constant 7.680000e+02 : f32
    %div3A_11 = vector.broadcast %div3A_10 : f32 to vector<1024x1xf32>
    %div3A_12 = arith.divf %broadcast_in_dim3A_9, %div3A_11 : vector<1024x1xf32>
    %mul3A_13 = arith.mulf %div3A_6, %div3A_6 : vector<1024x1xf32>
    %sub3A = arith.subf %div3A_12, %mul3A_13 : vector<1024x1xf32>
    %sub3A_14 = vector.broadcast %div3A_6 : vector<1024x1xf32> to vector<1024x768xf32>
    %sub3A_15 = arith.subf %get3A_3, %sub3A_14 : vector<1024x768xf32>
    %add3A = arith.constant 9.99999974E-6 : f32
    %add3A_16 = vector.broadcast %add3A : f32 to vector<1024x1xf32>
    %add3A_17 = arith.addf %sub3A, %add3A_16 : vector<1024x1xf32>
    %rsqrt3A = math.rsqrt %add3A_17 : vector<1024x1xf32>
    %mul3A_18 = vector.broadcast %rsqrt3A : vector<1024x1xf32> to vector<1024x768xf32>
    %mul3A_19 = arith.mulf %sub3A_15, %mul3A_18 : vector<1024x768xf32>
    %get3A_20 = arith.constant 0 : index
    %get3A_21 = arith.constant 0 : index
    %get3A_22 = vector.load %arg3[%get3A_20, %get3A_21] : memref<1x768xf32, #tpu.memory_space<vmem>>, vector<1x768xf32>
    %mul3A_23 = vector.broadcast %get3A_22 : vector<1x768xf32> to vector<1024x768xf32>
    %mul3A_24 = arith.mulf %mul3A_19, %mul3A_23 : vector<1024x768xf32>
    %get3A_25 = arith.constant 0 : index
    %get3A_26 = arith.constant 0 : index
    %get3A_27 = vector.load %arg4[%get3A_25, %get3A_26] : memref<1x768xf32, #tpu.memory_space<vmem>>, vector<1x768xf32>
    %add3A_28 = vector.broadcast %get3A_27 : vector<1x768xf32> to vector<1024x768xf32>
    %add3A_29 = arith.addf %mul3A_24, %add3A_28 : vector<1024x768xf32>
    %get3A_30 = arith.constant 0 : index
    %get3A_31 = arith.constant 0 : index
    %get3A_32 = vector.load %arg5[%get3A_30, %get3A_31] : memref<768x32xf32, #tpu.memory_space<vmem>>, vector<768x32xf32>
    %dot_general3A = arith.constant dense<0.000000e+00> : vector<1024x32xf32>
    %dot_general3A_33 = tpu.matmul %add3A_29, %get3A_32, %dot_general3A {dimension_numbers = #tpu.dot_dimension_numbers<[1], [0], [0], [1], [0, 0, 1, 1], [], []>, transpose_lhs_hint = false} : vector<1024x768xf32>, vector<768x32xf32>, vector<1024x32xf32> -> vector<1024x32xf32>
    %get3A_34 = arith.constant 0 : index
    %get3A_35 = arith.constant 0 : index
    %get3A_36 = vector.load %arg6[%get3A_34, %get3A_35] : memref<1x32xf32, #tpu.memory_space<vmem>>, vector<1x32xf32>
    %add3A_37 = vector.broadcast %get3A_36 : vector<1x32xf32> to vector<1024x32xf32>
    %add3A_38 = arith.addf %dot_general3A_33, %add3A_37 : vector<1024x32xf32>
    %mul3A_39 = arith.constant 5.000000e-01 : f32
    %mul3A_40 = vector.broadcast %mul3A_39 : f32 to vector<1024x32xf32>
    %mul3A_41 = arith.mulf %mul3A_40, %add3A_38 : vector<1024x32xf32>
    %mul3A_42 = arith.constant 0.707106769 : f32
    %mul3A_43 = vector.broadcast %mul3A_42 : f32 to vector<1024x32xf32>
    %mul3A_44 = arith.mulf %add3A_38, %mul3A_43 : vector<1024x32xf32>
    %erf3A = math.erf %mul3A_44 : vector<1024x32xf32>
    %add3A_45 = arith.constant 1.000000e+00 : f32
    %add3A_46 = vector.broadcast %add3A_45 : f32 to vector<1024x32xf32>
    %add3A_47 = arith.addf %add3A_46, %erf3A : vector<1024x32xf32>
    %mul3A_48 = arith.mulf %mul3A_41, %add3A_47 : vector<1024x32xf32>
    %get3A_49 = arith.constant 0 : index
    %get3A_50 = arith.constant 0 : index
    %get3A_51 = vector.load %arg2[%get3A_49, %get3A_50] : memref<1024x32xf32, #tpu.memory_space<vmem>>, vector<1024x32xf32>
    %concatenate3A = tpu.concatenate %get3A_51, %mul3A_48 in 1 : vector<1024x32xf32>, vector<1024x32xf32> -> vector<1024x64xf32>
    %get3A_52 = arith.constant 0 : index
    %get3A_53 = arith.constant 0 : index
    %get3A_54 = vector.load %arg7[%get3A_52, %get3A_53] : memref<64x64xf32, #tpu.memory_space<vmem>>, vector<64x64xf32>
    %dot_general3A_55 = arith.constant dense<0.000000e+00> : vector<1024x64xf32>
    %dot_general3A_56 = tpu.matmul %concatenate3A, %get3A_54, %dot_general3A_55 {dimension_numbers = #tpu.dot_dimension_numbers<[1], [0], [0], [1], [0, 0, 1, 1], [], []>, transpose_lhs_hint = false} : vector<1024x64xf32>, vector<64x64xf32>, vector<1024x64xf32> -> vector<1024x64xf32>
    %get3A_57 = arith.constant 0 : index
    %get3A_58 = arith.constant 0 : index
    %get3A_59 = vector.load %arg8[%get3A_57, %get3A_58] : memref<1x64xf32, #tpu.memory_space<vmem>>, vector<1x64xf32>
    %add3A_60 = vector.broadcast %get3A_59 : vector<1x64xf32> to vector<1024x64xf32>
    %add3A_61 = arith.addf %dot_general3A_56, %add3A_60 : vector<1024x64xf32>
    %mul3A_62 = arith.constant 5.000000e-01 : f32
    %mul3A_63 = vector.broadcast %mul3A_62 : f32 to vector<1024x64xf32>
    %mul3A_64 = arith.mulf %mul3A_63, %add3A_61 : vector<1024x64xf32>
    %mul3A_65 = arith.constant 0.707106769 : f32
    %mul3A_66 = vector.broadcast %mul3A_65 : f32 to vector<1024x64xf32>
    %mul3A_67 = arith.mulf %add3A_61, %mul3A_66 : vector<1024x64xf32>
    %erf3A_68 = math.erf %mul3A_67 : vector<1024x64xf32>
    %add3A_69 = arith.constant 1.000000e+00 : f32
    %add3A_70 = vector.broadcast %add3A_69 : f32 to vector<1024x64xf32>
    %add3A_71 = arith.addf %add3A_70, %erf3A_68 : vector<1024x64xf32>
    %mul3A_72 = arith.mulf %mul3A_64, %add3A_71 : vector<1024x64xf32>
    %transpose3A = tpu.transpose %mul3A_72, [1, 0] : vector<1024x64xf32> -> vector<64x1024xf32>
    %get3A_73 = arith.constant 0 : index
    %get3A_74 = arith.constant 0 : index
    %get3A_75 = vector.load %arg9[%get3A_73, %get3A_74] : memref<64x8xf32, #tpu.memory_space<vmem>>, vector<64x8xf32>
    %transpose3A_76 = tpu.transpose %get3A_75, [1, 0] : vector<64x8xf32> -> vector<8x64xf32>
    %dot_general3A_77 = arith.constant dense<0.000000e+00> : vector<8x1024xf32>
    %dot_general3A_78 = tpu.matmul %transpose3A_76, %transpose3A, %dot_general3A_77 {dimension_numbers = #tpu.dot_dimension_numbers<[1], [0], [0], [1], [0, 0, 1, 1], [], []>, transpose_lhs_hint = false} : vector<8x64xf32>, vector<64x1024xf32>, vector<8x1024xf32> -> vector<8x1024xf32>
    %get3A_79 = arith.constant 0 : index
    %get3A_80 = arith.constant 0 : index
    %get3A_81 = vector.load %arg10[%get3A_79, %get3A_80] : memref<1x8xf32, #tpu.memory_space<vmem>>, vector<1x8xf32>
    %reshape3A = vector.shape_cast %get3A_81 : vector<1x8xf32> to vector<8x1xf32>
    %add3A_82 = vector.broadcast %reshape3A : vector<8x1xf32> to vector<8x1024xf32>
    %add3A_83 = arith.addf %dot_general3A_78, %add3A_82 : vector<8x1024xf32>
    %reduce_max3A = arith.constant dense<0xFF800000> : vector<1024xf32>
    %reduce_max3A_84 = vector.multi_reduction <maximumf>, %add3A_83, %reduce_max3A [0] : vector<8x1024xf32> to vector<1024xf32>
    %broadcast_in_dim3A_85 = vector.shape_cast %reduce_max3A_84 : vector<1024xf32> to vector<1x1024xf32>
    %sub3A_86 = vector.broadcast %broadcast_in_dim3A_85 : vector<1x1024xf32> to vector<8x1024xf32>
    %sub3A_87 = arith.subf %add3A_83, %sub3A_86 : vector<8x1024xf32>
    %exp3A = math.exp %sub3A_87 : vector<8x1024xf32>
    %reduce_sum3A_88 = arith.constant dense<0.000000e+00> : vector<1024xf32>
    %reduce_sum3A_89 = vector.multi_reduction <add>, %exp3A, %reduce_sum3A_88 [0] : vector<8x1024xf32> to vector<1024xf32>
    %broadcast_in_dim3A_90 = vector.shape_cast %reduce_sum3A_89 : vector<1024xf32> to vector<1x1024xf32>
    %div3A_91 = vector.broadcast %broadcast_in_dim3A_90 : vector<1x1024xf32> to vector<8x1024xf32>
    %div3A_92 = arith.divf %exp3A, %div3A_91 : vector<8x1024xf32>
    %iota3A = tpu.iota {dimensions = array<i32: 0>} : vector<8x1024xi32>
    %ge3A = vector.broadcast %broadcast_in_dim3A_85 : vector<1x1024xf32> to vector<8x1024xf32>
    %ge3A_93 = arith.cmpf oge, %add3A_83, %ge3A : vector<8x1024xf32>
    %jit3A = arith.constant 8 : i32
    %broadcast_in_dim3A_94 = vector.broadcast %jit3A : i32 to vector<8x1024xi32>
    %select_n3A = arith.select %ge3A_93, %iota3A, %broadcast_in_dim3A_94 : vector<8x1024xi1>, vector<8x1024xi32>
    %reduce_min3A = arith.constant dense<2147483647> : vector<1024xi32>
    %reduce_min3A_95 = vector.multi_reduction <minsi>, %select_n3A, %reduce_min3A [0] : vector<8x1024xi32> to vector<1024xi32>
    %reduce_max3A_96 = arith.constant dense<0xFF800000> : vector<1024xf32>
    %reduce_max3A_97 = vector.multi_reduction <maximumf>, %div3A_92, %reduce_max3A_96 [0] : vector<8x1024xf32> to vector<1024xf32>
    %broadcast_in_dim3A_98 = vector.shape_cast %reduce_min3A_95 : vector<1024xi32> to vector<1x1024xi32>
    %eq3A_99 = vector.broadcast %broadcast_in_dim3A_98 : vector<1x1024xi32> to vector<8x1024xi32>
    %eq3A_100 = arith.cmpi eq, %iota3A, %eq3A_99 : vector<8x1024xi32>
    %convert_element_type3A_101 = arith.extui %eq3A_100 : vector<8x1024xi1> to vector<8x1024xi32>
    %convert_element_type3A_102 = arith.sitofp %convert_element_type3A_101 : vector<8x1024xi32> to vector<8x1024xf32>
    %get3A_103 = arith.constant 0 : index
    %get3A_104 = arith.constant 0 : index
    %get3A_105 = vector.load %arg18[%get3A_103, %get3A_104] : memref<1024x1024xf32, #tpu.memory_space<vmem>>, vector<1024x1024xf32>
    %dot_general3A_106 = arith.constant dense<0.000000e+00> : vector<8x1024xf32>
    %dot_general3A_107 = tpu.matmul %convert_element_type3A_102, %get3A_105, %dot_general3A_106 {dimension_numbers = #tpu.dot_dimension_numbers<[1], [0], [0], [1], [0, 0, 1, 1], [], []>, transpose_lhs_hint = false} : vector<8x1024xf32>, vector<1024x1024xf32>, vector<8x1024xf32> -> vector<8x1024xf32>
    %get3A_108 = arith.constant 0 : index
    %get3A_109 = arith.constant 0 : index
    %get3A_110 = vector.load %arg19[%get3A_108, %get3A_109] : memref<8x1xf32, #tpu.memory_space<vmem>>, vector<8x1xf32>
    %add3A_111 = vector.broadcast %get3A_110 : vector<8x1xf32> to vector<8x1024xf32>
    %add3A_112 = arith.addf %dot_general3A_107, %add3A_111 : vector<8x1024xf32>
    %mul3A_113 = arith.mulf %convert_element_type3A_102, %add3A_112 : vector<8x1024xf32>
    %reduce_sum3A_114 = arith.constant dense<0.000000e+00> : vector<1024xf32>
    %reduce_sum3A_115 = vector.multi_reduction <add>, %mul3A_113, %reduce_sum3A_114 [0] : vector<8x1024xf32> to vector<1024xf32>
    %convert_element_type3A_116 = arith.fptosi %reduce_sum3A_115 : vector<1024xf32> to vector<1024xi32>
    %get3A_117 = arith.constant 0 : index
    %get3A_118 = arith.constant 0 : index
    %get3A_119 = vector.load %arg19[%get3A_117, %get3A_118] : memref<8x1xf32, #tpu.memory_space<vmem>>, vector<8x1xf32>
    %reduce_sum3A_120 = arith.constant dense<0.000000e+00> : vector<8xf32>
    %reduce_sum3A_121 = vector.multi_reduction <add>, %convert_element_type3A_102, %reduce_sum3A_120 [1] : vector<8x1024xf32> to vector<8xf32>
    %broadcast_in_dim3A_122 = vector.shape_cast %reduce_sum3A_121 : vector<8xf32> to vector<8x1xf32>
    %add3A_123 = arith.addf %get3A_119, %broadcast_in_dim3A_122 : vector<8x1xf32>
    %swap3A = arith.constant 0 : index
    %swap3A_124 = arith.constant 0 : index
    %swap3A_125 = vector.load %arg19[%swap3A, %swap3A_124] : memref<8x1xf32, #tpu.memory_space<vmem>>, vector<8x1xf32>
    tpu.vector_store %arg19[%swap3A, %swap3A_124], %add3A_123 {strides = array<i32>} : memref<8x1xf32, #tpu.memory_space<vmem>>, vector<8x1xf32>,
    %get3A_126 = arith.constant 0 : index
    %get3A_127 = arith.constant 0 : index
    %get3A_128 = vector.load %arg20[%get3A_126, %get3A_127] : memref<8x1xf32, #tpu.memory_space<vmem>>, vector<8x1xf32>
    %reduce_sum3A_129 = arith.constant dense<0.000000e+00> : vector<8xf32>
    %reduce_sum3A_130 = vector.multi_reduction <add>, %div3A_92, %reduce_sum3A_129 [1] : vector<8x1024xf32> to vector<8xf32>
    %broadcast_in_dim3A_131 = vector.shape_cast %reduce_sum3A_130 : vector<8xf32> to vector<8x1xf32>
    %add3A_132 = arith.addf %get3A_128, %broadcast_in_dim3A_131 : vector<8x1xf32>
    %swap3A_133 = arith.constant 0 : index
    %swap3A_134 = arith.constant 0 : index
    %swap3A_135 = vector.load %arg20[%swap3A_133, %swap3A_134] : memref<8x1xf32, #tpu.memory_space<vmem>>, vector<8x1xf32>
    tpu.vector_store %arg20[%swap3A_133, %swap3A_134], %add3A_132 {strides = array<i32>} : memref<8x1xf32, #tpu.memory_space<vmem>>, vector<8x1xf32>,
    %swap3A_136 = arith.constant 0 : index
    %swap3A_137 = vector.load %arg11[%swap3A_136] : memref<1024xi32, #tpu.memory_space<vmem>>, vector<1024xi32>
    tpu.vector_store %arg11[%swap3A_136], %reduce_min3A_95 {strides = array<i32>} : memref<1024xi32, #tpu.memory_space<vmem>>, vector<1024xi32>,
    %mul3A_138 = arith.constant 0.353553385 : f32
    %mul3A_139 = vector.broadcast %mul3A_138 : f32 to vector<1024xf32>
    %mul3A_140 = arith.mulf %mul3A_139, %reduce_max3A_97 : vector<1024xf32>
    %swap3A_141 = arith.constant 0 : index
    %swap3A_142 = vector.load %arg12[%swap3A_141] : memref<1024xf32, #tpu.memory_space<vmem>>, vector<1024xf32>
    tpu.vector_store %arg12[%swap3A_141], %mul3A_140 {strides = array<i32>} : memref<1024xf32, #tpu.memory_space<vmem>>, vector<1024xf32>,
    %swap3A_143 = arith.constant 0 : index
    %swap3A_144 = vector.load %arg13[%swap3A_143] : memref<1024xi32, #tpu.memory_space<vmem>>, vector<1024xi32>
    tpu.vector_store %arg13[%swap3A_143], %convert_element_type3A_116 {strides = array<i32>} : memref<1024xi32, #tpu.memory_space<vmem>>, vector<1024xi32>,
    %eq3A_145 = arith.constant 3 : i32
    %eq3A_146 = arith.cmpi eq, %arg0, %eq3A_145 : i32
    %convert_element_type3A_147 = arith.extui %eq3A_146 : i1 to i32
    %cond3A_148 = arith.constant 0 : i32
    %cond3A_149 = arith.cmpi ne, %convert_element_type3A_147, %cond3A_148 : i32
    scf.if %cond3A_149 {
      %get3A_150 = arith.constant 0 : index
      %get3A_151 = arith.constant 0 : index
      %get3A_152 = vector.load %arg19[%get3A_150, %get3A_151] : memref<8x1xf32, #tpu.memory_space<vmem>>, vector<8x1xf32>
      %div3A_153 = arith.constant 5.120000e+02 : f32
      %div3A_154 = vector.broadcast %div3A_153 : f32 to vector<8x1xf32>
      %div3A_155 = arith.divf %get3A_152, %div3A_154 : vector<8x1xf32>
      %ceil3A = math.ceil %div3A_155 : vector<8x1xf32>
      %mul3A_156 = arith.constant 5.120000e+02 : f32
      %mul3A_157 = vector.broadcast %mul3A_156 : f32 to vector<8x1xf32>
      %mul3A_158 = arith.mulf %ceil3A, %mul3A_157 : vector<8x1xf32>
      %iota3A_159 = tpu.iota {dimensions = array<i32: 0>} : vector<8x8xi32>
      %iota3A_160 = tpu.iota {dimensions = array<i32: 1>} : vector<8x8xi32>
      %lt3A = arith.cmpi slt, %iota3A_160, %iota3A_159 : vector<8x8xi32>
      %convert_element_type3A_161 = arith.extui %lt3A : vector<8x8xi1> to vector<8x8xi32>
      %convert_element_type3A_162 = arith.sitofp %convert_element_type3A_161 : vector<8x8xi32> to vector<8x8xf32>
      %dot_general3A_163 = arith.constant dense<0.000000e+00> : vector<8x1xf32>
      %dot_general3A_164 = tpu.matmul %convert_element_type3A_162, %mul3A_158, %dot_general3A_163 {dimension_numbers = #tpu.dot_dimension_numbers<[1], [0], [0], [1], [0, 0, 1, 1], [], []>, transpose_lhs_hint = false} : vector<8x8xf32>, vector<8x1xf32>, vector<8x1xf32> -> vector<8x1xf32>
      %reduce_sum3A_165 = vector.shape_cast %mul3A_158 : vector<8x1xf32> to vector<1x8x1xf32>
      %reduce_sum3A_166 = arith.constant dense<0.000000e+00> : vector<1xf32>
      %reduce_sum3A_167 = vector.multi_reduction <add>, %reduce_sum3A_165, %reduce_sum3A_166 [1, 2] : vector<1x8x1xf32> to vector<1xf32>
      %reduce_sum3A_168 = vector.shape_cast %reduce_sum3A_167 : vector<1xf32> to vector<1x1x1xf32>
      %reduce_sum3A_169 = vector.extract %reduce_sum3A_168[0, 0, 0] : f32 from vector<1x1x1xf32>
      %add3A_170 = arith.addf %dot_general3A_164, %mul3A_158 : vector<8x1xf32>
      %iota3A_171 = tpu.iota {dimensions = array<i32: 1>} : vector<1x15xi32>
      %convert_element_type3A_172 = arith.sitofp %iota3A_171 : vector<1x15xi32> to vector<1x15xf32>
      %mul3A_173 = arith.constant 5.120000e+02 : f32
      %mul3A_174 = vector.broadcast %mul3A_173 : f32 to vector<1x15xf32>
      %mul3A_175 = arith.mulf %convert_element_type3A_172, %mul3A_174 : vector<1x15xf32>
      %sub3A_176 = arith.constant 5.120000e+02 : f32
      %sub3A_177 = arith.subf %reduce_sum3A_169, %sub3A_176 : f32
      %min3A = vector.broadcast %sub3A_177 : f32 to vector<1x15xf32>
      %min3A_178 = arith.minimumf %mul3A_175, %min3A : vector<1x15xf32>
      %le3A = vector.broadcast %add3A_170 : vector<8x1xf32> to vector<8x15xf32>
      %le3A_179 = vector.broadcast %min3A_178 : vector<1x15xf32> to vector<8x15xf32>
      %le3A_180 = arith.cmpf ole, %le3A, %le3A_179 : vector<8x15xf32>
      %convert_element_type3A_181 = arith.extui %le3A_180 : vector<8x15xi1> to vector<8x15xi32>
      %reduce_sum3A_182 = arith.constant dense<0> : vector<15xi32>
      %reduce_sum3A_183 = vector.multi_reduction <add>, %convert_element_type3A_181, %reduce_sum3A_182 [0] : vector<8x15xi32> to vector<15xi32>
      %convert_element_type3A_184 = arith.fptosi %dot_general3A_164 : vector<8x1xf32> to vector<8x1xi32>
      %reshape3A_185 = vector.shape_cast %convert_element_type3A_184 : vector<8x1xi32> to vector<8xi32>
      %swap3A_186 = arith.constant 0 : index
      %swap3A_187 = vector.load %arg14[%swap3A_186] : memref<8xi32, #tpu.memory_space<vmem>>, vector<8xi32>
      tpu.vector_store %arg14[%swap3A_186], %reshape3A_185 {strides = array<i32>} : memref<8xi32, #tpu.memory_space<vmem>>, vector<8xi32>,
      %swap3A_188 = arith.constant 0 : index
      %swap3A_189 = vector.load %arg15[%swap3A_188] : memref<15xi32, #tpu.memory_space<vmem>>, vector<15xi32>
      tpu.vector_store %arg15[%swap3A_188], %reduce_sum3A_183 {strides = array<i32>} : memref<15xi32, #tpu.memory_space<vmem>>, vector<15xi32>,
      %convert_element_type3A_190 = arith.fptosi %reduce_sum3A_169 : f32 to i32
      %jit3A_191 = arith.constant 512 : i32
      %div3A_192 = arith.divsi %convert_element_type3A_190, %jit3A_191 : i32
      %sign3A = arith.constant 0 : i32
      %sign3A_193 = arith.cmpi sgt, %convert_element_type3A_190, %sign3A : i32
      %sign3A_194 = arith.extui %sign3A_193 : i1 to i32
      %sign3A_195 = arith.constant 0 : i32
      %sign3A_196 = arith.cmpi slt, %convert_element_type3A_190, %sign3A_195 : i32
      %sign3A_197 = arith.extui %sign3A_196 : i1 to i32
      %sign3A_198 = arith.subi %sign3A_194, %sign3A_197 : i32
      %sign3A_199 = arith.constant 0 : i32
      %sign3A_200 = arith.cmpi sgt, %jit3A_191, %sign3A_199 : i32
      %sign3A_201 = arith.extui %sign3A_200 : i1 to i32
      %sign3A_202 = arith.constant 0 : i32
      %sign3A_203 = arith.cmpi slt, %jit3A_191, %sign3A_202 : i32
      %sign3A_204 = arith.extui %sign3A_203 : i1 to i32
      %sign3A_205 = arith.subi %sign3A_201, %sign3A_204 : i32
      %ne3A = arith.cmpi ne, %sign3A_198, %sign3A_205 : i32
      %rem3A = arith.remsi %convert_element_type3A_190, %jit3A_191 : i32
      %ne3A_206 = arith.constant 0 : i32
      %ne3A_207 = arith.cmpi ne, %rem3A, %ne3A_206 : i32
      %and3A = arith.andi %ne3A, %ne3A_207 : i1
      %sub3A_208 = arith.constant 1 : i32
      %sub3A_209 = arith.subi %div3A_192, %sub3A_208 : i32
      %select_n3A_210 = arith.select %and3A, %sub3A_209, %div3A_192 : i32
      %reshape3A_211 = vector.broadcast %select_n3A_210 : i32 to vector<1xi32>
      %swap3A_212 = arith.constant 0 : index
      %swap3A_213 = vector.load %arg16[%swap3A_212] : memref<1xi32, #tpu.memory_space<vmem>>, vector<1xi32>
      tpu.vector_store %arg16[%swap3A_212], %reshape3A_211 {strides = array<i32>} : memref<1xi32, #tpu.memory_space<vmem>>, vector<1xi32>,
      %get3A_214 = arith.constant 0 : index
      %get3A_215 = arith.constant 0 : index
      %get3A_216 = vector.load %arg20[%get3A_214, %get3A_215] : memref<8x1xf32, #tpu.memory_space<vmem>>, vector<8x1xf32>
      %mul3A_217 = arith.mulf %get3A_216, %get3A_152 : vector<8x1xf32>
      %reduce_sum3A_218 = vector.shape_cast %mul3A_217 : vector<8x1xf32> to vector<1x8x1xf32>
      %reduce_sum3A_219 = arith.constant dense<0.000000e+00> : vector<1xf32>
      %reduce_sum3A_220 = vector.multi_reduction <add>, %reduce_sum3A_218, %reduce_sum3A_219 [1, 2] : vector<1x8x1xf32> to vector<1xf32>
      %reduce_sum3A_221 = vector.shape_cast %reduce_sum3A_220 : vector<1xf32> to vector<1x1x1xf32>
      %reduce_sum3A_222 = vector.extract %reduce_sum3A_221[0, 0, 0] : f32 from vector<1x1x1xf32>
      %mul3A_223 = arith.constant 8.000000e+00 : f32
      %mul3A_224 = arith.mulf %mul3A_223, %reduce_sum3A_222 : f32
      %div3A_225 = arith.constant 0x4B800000 : f32
      %div3A_226 = arith.divf %mul3A_224, %div3A_225 : f32
      %reshape3A_227 = vector.broadcast %div3A_226 : f32 to vector<1xf32>
      %swap3A_228 = arith.constant 0 : index
      %swap3A_229 = vector.load %arg17[%swap3A_228] : memref<1xf32, #tpu.memory_space<vmem>>, vector<1xf32>
      tpu.vector_store %arg17[%swap3A_228], %reshape3A_227 {strides = array<i32>} : memref<1xf32, #tpu.memory_space<vmem>>, vector<1xf32>,
    } else {
    }
    return
  }
  func.func @transform_0(%arg0: i32) -> (i32, i32) {
    %c0_i32 = arith.constant 0 : i32
    %c0_i32_0 = arith.constant 0 : i32
    return %arg0, %c0_i32 : i32, i32
  }
  func.func @transform_1(%arg0: i32) -> (i32, i32) {
    %c0_i32 = arith.constant 0 : i32
    %c0_i32_0 = arith.constant 0 : i32
    return %arg0, %c0_i32 : i32, i32
  }
  func.func @transform_2(%arg0: i32) -> (i32, i32) {
    %c0_i32 = arith.constant 0 : i32
    %c0_i32_0 = arith.constant 0 : i32
    %c0_i32_1 = arith.constant 0 : i32
    return %c0_i32, %c0_i32_0 : i32, i32
  }
  func.func @transform_3(%arg0: i32) -> (i32, i32) {
    %c0_i32 = arith.constant 0 : i32
    %c0_i32_0 = arith.constant 0 : i32
    %c0_i32_1 = arith.constant 0 : i32
    return %c0_i32, %c0_i32_0 : i32, i32
  }
  func.func @transform_4(%arg0: i32) -> (i32, i32) {
    %c0_i32 = arith.constant 0 : i32
    %c0_i32_0 = arith.constant 0 : i32
    %c0_i32_1 = arith.constant 0 : i32
    return %c0_i32, %c0_i32_0 : i32, i32
  }
  func.func @transform_5(%arg0: i32) -> (i32, i32) {
    %c0_i32 = arith.constant 0 : i32
    %c0_i32_0 = arith.constant 0 : i32
    %c0_i32_1 = arith.constant 0 : i32
    return %c0_i32, %c0_i32_0 : i32, i32
  }
  func.func @transform_6(%arg0: i32) -> (i32, i32) {
    %c0_i32 = arith.constant 0 : i32
    %c0_i32_0 = arith.constant 0 : i32
    %c0_i32_1 = arith.constant 0 : i32
    return %c0_i32, %c0_i32_0 : i32, i32
  }
  func.func @transform_7(%arg0: i32) -> (i32, i32) {
    %c0_i32 = arith.constant 0 : i32
    %c0_i32_0 = arith.constant 0 : i32
    %c0_i32_1 = arith.constant 0 : i32
    return %c0_i32, %c0_i32_0 : i32, i32
  }
  func.func @transform_8(%arg0: i32) -> (i32, i32) {
    %c0_i32 = arith.constant 0 : i32
    %c0_i32_0 = arith.constant 0 : i32
    %c0_i32_1 = arith.constant 0 : i32
    return %c0_i32, %c0_i32_0 : i32, i32
  }
  func.func @transform_9(%arg0: i32) -> (i32, i32) {
    %c0_i32 = arith.constant 0 : i32
    %c0_i32_0 = arith.constant 0 : i32
    %c0_i32_1 = arith.constant 0 : i32
    return %c0_i32, %c0_i32_0 : i32, i32
  }
  func.func @transform_10(%arg0: i32) -> i32 {
    %c0_i32 = arith.constant 0 : i32
    return %arg0 : i32
  }
  func.func @transform_11(%arg0: i32) -> i32 {
    %c0_i32 = arith.constant 0 : i32
    return %arg0 : i32
  }
  func.func @transform_12(%arg0: i32) -> i32 {
    %c0_i32 = arith.constant 0 : i32
    return %arg0 : i32
  }
  func.func @transform_13(%arg0: i32) -> i32 {
    %c0_i32 = arith.constant 0 : i32
    %c0_i32_0 = arith.constant 0 : i32
    return %c0_i32 : i32
  }
  func.func @transform_14(%arg0: i32) -> i32 {
    %c0_i32 = arith.constant 0 : i32
    %c0_i32_0 = arith.constant 0 : i32
    return %c0_i32 : i32
  }
  func.func @transform_15(%arg0: i32) -> i32 {
    %c0_i32 = arith.constant 0 : i32
    %c0_i32_0 = arith.constant 0 : i32
    return %c0_i32 : i32
  }
  func.func @transform_16(%arg0: i32) -> i32 {
    %c0_i32 = arith.constant 0 : i32
    %c0_i32_0 = arith.constant 0 : i32
    return %c0_i32 : i32
  }
}

module attributes {stable_mosaic.version = 14 : i64} {
  func.func @_ffn_body(%arg0: i32, %arg1: memref<15xi32, #tpu.memory_space<smem>>, %arg2: memref<1xi32, #tpu.memory_space<smem>>, %arg3: memref<512x896xf32, #tpu.memory_space<vmem>>, %arg4: memref<1x768x1536xf32, #tpu.memory_space<vmem>>, %arg5: memref<8x1536xf32, #tpu.memory_space<vmem>>, %arg6: memref<1x1536x768xf32, #tpu.memory_space<vmem>>, %arg7: memref<8x768xf32, #tpu.memory_space<vmem>>, %arg8: memref<512x768xf32, #tpu.memory_space<vmem>>, %arg9: memref<768x1536xbf16, #tpu.memory_space<vmem>>, %arg10: memref<1536x768xbf16, #tpu.memory_space<vmem>>, %arg11: memref<1xi32, #tpu.memory_space<smem>>) attributes {dimension_semantics = [#tpu.dimension_semantics<arbitrary>], iteration_bounds = array<i64: 15>, scalar_prefetch = 2 : i64, scratch_operands = 3 : i64, tpu.core_type = #tpu.core_type<tc>, window_params = [{transform_indices = @transform_0, window_bounds = array<i64: 512, 896>}, {transform_indices = @transform_1, window_bounds = array<i64: 1, 768, 1536>}, {pipeline_mode = #tpu.pipeline_mode<synchronous>, transform_indices = @transform_2, window_bounds = array<i64: 8, 1536>}, {transform_indices = @transform_3, window_bounds = array<i64: 1, 1536, 768>}, {pipeline_mode = #tpu.pipeline_mode<synchronous>, transform_indices = @transform_4, window_bounds = array<i64: 8, 768>}, {transform_indices = @transform_5, window_bounds = array<i64: 512, 768>}]} {
    %get3A = arith.constant 0 : index
    %get3A_0 = memref.load %arg2[%get3A] : memref<1xi32, #tpu.memory_space<smem>>
    %lt3A = arith.cmpi slt, %arg0, %get3A_0 : i32
    %convert_element_type3A = arith.extui %lt3A : i1 to i32
    %cond3A = arith.constant 0 : i32
    %cond3A_1 = arith.cmpi ne, %convert_element_type3A, %cond3A : i32
    scf.if %cond3A_1 {
      %get3A_2 = arith.constant 0 : index
      %get3A_3 = arith.constant 0 : index
      %get3A_4 = vector.load %arg3[%get3A_2, %get3A_3] : memref<512x896xf32, #tpu.memory_space<vmem>>, vector<512x768xf32>
      %get3A_5 = arith.constant 0 : index
      %get3A_6 = arith.constant 768 : index
      %get3A_7 = vector.load %arg3[%get3A_5, %get3A_6] : memref<512x896xf32, #tpu.memory_space<vmem>>, vector<512x1xf32>
      %get3A_8 = arith.index_cast %arg0 : i32 to index
      %get3A_9 = memref.load %arg1[%get3A_8] : memref<15xi32, #tpu.memory_space<smem>>
      %get3A_10 = arith.constant 0 : index
      %get3A_11 = arith.constant 0 : index
      %get3A_12 = arith.constant 0 : index
      %get3A_13 = vector.load %arg4[%get3A_10, %get3A_11, %get3A_12] : memref<1x768x1536xf32, #tpu.memory_space<vmem>>, vector<1x768x1536xf32>
      %get3A_14 = vector.shape_cast %get3A_13 : vector<1x768x1536xf32> to vector<768x1536xf32>
      %dot_general3A = arith.constant dense<0.000000e+00> : vector<512x1536xf32>
      %dot_general3A_15 = tpu.matmul %get3A_4, %get3A_14, %dot_general3A {dimension_numbers = #tpu.dot_dimension_numbers<[1], [0], [0], [1], [0, 0, 1, 1], [], []>, transpose_lhs_hint = false} : vector<512x768xf32>, vector<768x1536xf32>, vector<512x1536xf32> -> vector<512x1536xf32>
      %get3A_16 = arith.index_cast %get3A_9 : i32 to index
      %get3A_17 = arith.constant 0 : index
      %get3A_18 = vector.load %arg5[%get3A_16, %get3A_17] : memref<8x1536xf32, #tpu.memory_space<vmem>>, vector<1x1536xf32>
      %add3A = vector.broadcast %get3A_18 : vector<1x1536xf32> to vector<512x1536xf32>
      %add3A_19 = arith.addf %dot_general3A_15, %add3A : vector<512x1536xf32>
      %mul3A = arith.constant 5.000000e-01 : f32
      %mul3A_20 = vector.broadcast %mul3A : f32 to vector<512x1536xf32>
      %mul3A_21 = arith.mulf %mul3A_20, %add3A_19 : vector<512x1536xf32>
      %mul3A_22 = arith.constant 0.707106769 : f32
      %mul3A_23 = vector.broadcast %mul3A_22 : f32 to vector<512x1536xf32>
      %mul3A_24 = arith.mulf %add3A_19, %mul3A_23 : vector<512x1536xf32>
      %erf3A = math.erf %mul3A_24 : vector<512x1536xf32>
      %add3A_25 = arith.constant 1.000000e+00 : f32
      %add3A_26 = vector.broadcast %add3A_25 : f32 to vector<512x1536xf32>
      %add3A_27 = arith.addf %add3A_26, %erf3A : vector<512x1536xf32>
      %mul3A_28 = arith.mulf %mul3A_21, %add3A_27 : vector<512x1536xf32>
      %get3A_29 = arith.constant 0 : index
      %get3A_30 = arith.constant 0 : index
      %get3A_31 = arith.constant 0 : index
      %get3A_32 = vector.load %arg6[%get3A_29, %get3A_30, %get3A_31] : memref<1x1536x768xf32, #tpu.memory_space<vmem>>, vector<1x1536x768xf32>
      %get3A_33 = vector.shape_cast %get3A_32 : vector<1x1536x768xf32> to vector<1536x768xf32>
      %dot_general3A_34 = arith.constant dense<0.000000e+00> : vector<512x768xf32>
      %dot_general3A_35 = tpu.matmul %mul3A_28, %get3A_33, %dot_general3A_34 {dimension_numbers = #tpu.dot_dimension_numbers<[1], [0], [0], [1], [0, 0, 1, 1], [], []>, transpose_lhs_hint = false} : vector<512x1536xf32>, vector<1536x768xf32>, vector<512x768xf32> -> vector<512x768xf32>
      %get3A_36 = arith.index_cast %get3A_9 : i32 to index
      %get3A_37 = arith.constant 0 : index
      %get3A_38 = vector.load %arg7[%get3A_36, %get3A_37] : memref<8x768xf32, #tpu.memory_space<vmem>>, vector<1x768xf32>
      %add3A_39 = vector.broadcast %get3A_38 : vector<1x768xf32> to vector<512x768xf32>
      %add3A_40 = arith.addf %dot_general3A_35, %add3A_39 : vector<512x768xf32>
      %mul3A_41 = vector.broadcast %get3A_7 : vector<512x1xf32> to vector<512x768xf32>
      %mul3A_42 = arith.mulf %mul3A_41, %add3A_40 : vector<512x768xf32>
      %add3A_43 = arith.addf %get3A_4, %mul3A_42 : vector<512x768xf32>
      %swap3A = arith.constant 0 : index
      %swap3A_44 = arith.constant 0 : index
      %swap3A_45 = vector.load %arg8[%swap3A, %swap3A_44] : memref<512x768xf32, #tpu.memory_space<vmem>>, vector<512x768xf32>
      tpu.vector_store %arg8[%swap3A, %swap3A_44], %add3A_43 {strides = array<i32>} : memref<512x768xf32, #tpu.memory_space<vmem>>, vector<512x768xf32>,
    } else {
    }
    return
  }
  func.func @transform_0(%arg0: i32, %arg1: memref<15xi32, #tpu.memory_space<smem>>, %arg2: memref<1xi32, #tpu.memory_space<smem>>) -> (i32, i32) {
    %get3A = arith.constant 0 : index
    %get3A_0 = memref.load %arg2[%get3A] : memref<1xi32, #tpu.memory_space<smem>>
    %sub3A = arith.constant 1 : i32
    %sub3A_1 = arith.subi %get3A_0, %sub3A : i32
    %min3A = arith.minsi %arg0, %sub3A_1 : i32
    %c0_i32 = arith.constant 0 : i32
    %c0_i32_2 = arith.constant 0 : i32
    return %min3A, %c0_i32 : i32, i32
  }
  func.func @transform_1(%arg0: i32, %arg1: memref<15xi32, #tpu.memory_space<smem>>, %arg2: memref<1xi32, #tpu.memory_space<smem>>) -> (i32, i32, i32) {
    %get3A = arith.index_cast %arg0 : i32 to index
    %get3A_0 = memref.load %arg1[%get3A] : memref<15xi32, #tpu.memory_space<smem>>
    %c0_i32 = arith.constant 0 : i32
    %c0_i32_1 = arith.constant 0 : i32
    %c0_i32_2 = arith.constant 0 : i32
    return %get3A_0, %c0_i32, %c0_i32_1 : i32, i32, i32
  }
  func.func @transform_2(%arg0: i32, %arg1: memref<15xi32, #tpu.memory_space<smem>>, %arg2: memref<1xi32, #tpu.memory_space<smem>>) -> (i32, i32) {
    %c0_i32 = arith.constant 0 : i32
    %c0_i32_0 = arith.constant 0 : i32
    %c0_i32_1 = arith.constant 0 : i32
    return %c0_i32, %c0_i32_0 : i32, i32
  }
  func.func @transform_3(%arg0: i32, %arg1: memref<15xi32, #tpu.memory_space<smem>>, %arg2: memref<1xi32, #tpu.memory_space<smem>>) -> (i32, i32, i32) {
    %get3A = arith.index_cast %arg0 : i32 to index
    %get3A_0 = memref.load %arg1[%get3A] : memref<15xi32, #tpu.memory_space<smem>>
    %c0_i32 = arith.constant 0 : i32
    %c0_i32_1 = arith.constant 0 : i32
    %c0_i32_2 = arith.constant 0 : i32
    return %get3A_0, %c0_i32, %c0_i32_1 : i32, i32, i32
  }
  func.func @transform_4(%arg0: i32, %arg1: memref<15xi32, #tpu.memory_space<smem>>, %arg2: memref<1xi32, #tpu.memory_space<smem>>) -> (i32, i32) {
    %c0_i32 = arith.constant 0 : i32
    %c0_i32_0 = arith.constant 0 : i32
    %c0_i32_1 = arith.constant 0 : i32
    return %c0_i32, %c0_i32_0 : i32, i32
  }
  func.func @transform_5(%arg0: i32, %arg1: memref<15xi32, #tpu.memory_space<smem>>, %arg2: memref<1xi32, #tpu.memory_space<smem>>) -> (i32, i32) {
    %get3A = arith.constant 0 : index
    %get3A_0 = memref.load %arg2[%get3A] : memref<1xi32, #tpu.memory_space<smem>>
    %sub3A = arith.constant 1 : i32
    %sub3A_1 = arith.subi %get3A_0, %sub3A : i32
    %min3A = arith.minsi %arg0, %sub3A_1 : i32
    %c0_i32 = arith.constant 0 : i32
    %c0_i32_2 = arith.constant 0 : i32
    return %min3A, %c0_i32 : i32, i32
  }
}

</mosaic_0001>

<sc_bundles>
// kernel: kernel.6.cloned.1.call-start
scs
__scs_entry_jumppad:
0x0: {  	(pc) =	sbr.rel $0x88, $3  }
0x1: {  	(tag) =	ssettag $0x0;
	lr =	simm.s32 $0x1  }
0x2: {  	[smem:$0x3F93] =	sst lr;
	_ =	strace $0xD0000000  }
0x3: {  	_ = 	snop  }
0x4: {  	_ = 	snop  }
0x5: {  	_ = 	snop  }
0x6: {  	_ = 	snop  }
0x7: {  	_ = 	snop  }
__scs_overlays_trampoline_lowered:
0x8: {  	[smem:$0x3FA2] =	sst s0  }
0x9: {  	[smem:$0x3FA3] =	sst s1  }
0xa: {  	[smem:$0x3FA4] =	sst s2  }
0xb: {  	[smem:$0x3FA5] =	sst s3  }
0xc: {  	[smem:$0x3FA6] =	sst s4  }
0xd: {  	[smem:$0x3FA7] =	sst s5  }
0xe: {  	[smem:$0x3FA8] =	sst s6  }
0xf: {  	[smem:$0x3FA9] =	sst s7  }
0x10: {  	[smem:$0x3FAA] =	sst s8  }
0x11: {  	[smem:$0x3FAB] =	sst s9;
	s0 =	simm.s32 @!p0 $0x0  }
0x12: {  	s1 =	sld [smem:$0x3F91];
	s0 =	simm.s32 @p0 $0x1  }
0x13: {  	[smem:$0x3FAC] =	sst s0;
	s0 =	simm.s32 @!p1 $0x0  }
0x14: {  	s2 =	sld [smem:$0x3F90];
	s0 =	simm.s32 @p1 $0x1  }
0x15: {  	[smem:$0x3FAD] =	sst s0;
	s0 =	simm.s32 @!p2 $0x0  }
0x16: {  	s3 =	sld [smem:$0x3FDB];
	s0 =	simm.s32 @p2 $0x1  }
0x17: {  	s4 =	simm.s32 $0x1BF5;
	[smem:$0x3FAF] =	sst s0  }
0x18: {  	s0 =	sld [smem:$0x3F92];
	_ =	swait.ge [sflag:s4], $0x0  }
0x19: {  	s7 =	sld [smem:$0x3F93]  }
0x1a: {  	s8 =	sadd.s32 $0xFFFFE003, lr  }
0x1b: {  	s9 =	sadd.s32 $0xFFFFFEF7, lr;
	s5 =	simm.s32 $0xFFFFFFFF;
	p2 =	slt.u32 s8, $0xFFFFF086  }
0x1c: {  	p1 =	slt.u32 s9, $0xF7A;
	s5 =	simm.s32 @!p2 $0x0  }
0x1d: {  	s5 =	simm.s32 @p1 $0x1;
	p0 =	seq.s32 s7, s2  }
0x1e: {  	s7 =	smul.u32 @!p0 $0xF7A, s2;
	p2 =	seq.s32 @!p0 s5, $0x0  }
0x1f: {  	s9 =	smul.u32 $0xF7A, s1;
	s8 =	simm.s32 @!p0 $0x1BF5;
	p2 =	por !p2, p0  }
0x20: {  	[sflag:s8] =	ssyncset.s32 @!p0 $0xFFFFF086;
	s6 =	sadd.s32 @!p0 s3, s7;
	s7 =	simm.s32 @!p0 $0x108  }
0x21: {  	s3 =	sadd.s32 s3, s9;
	s6 =	sadd.s32 @!p0 $0x88, s6;
	s7 =	simm.s32 @p2 $0x1082  }
0x22: {  	[simem:s7], [sflag:s8] =	dma.local @!p0 [hbm:s6], $0xF7A  }
0x23: {  	s9 =	sor.u32 $0xD0000000, s2;
	s6 =	simm.s32 $0x108;
	_ =	swait.ge @!p0 [sflag:s8], $0x0  }
0x24: {  	s3 =	sadd.s32 $0x88, s3;
	s6 =	simm.s32 @!p1 $0x1082;
	[sflag:s4] =	ssyncset.s32 $0xFFFFF086  }
0x25: {  	[simem:s6], [sflag:s4] =	dma.local [hbm:s3], $0xF7A  }
0x26: {  	[smem:$0x3F93] =	sst s1;
	(tag) =	ssettag s2;
	_ =	strace s9  }
0x27: {  	s1 =	sld [smem:$0x3FA3]  }
0x28: {  	s2 =	sld [smem:$0x3FA4]  }
0x29: {  	s4 =	sld [smem:$0x3FA6]  }
0x2a: {  	p0 =	seq.s32 s5, $0x0;
	s5 =	sld [smem:$0x3FA7]  }
0x2b: {  	s6 =	sld [smem:$0x3FA8]  }
0x2c: {  	s7 =	sld [smem:$0x3FA9]  }
0x2d: {  	s3 =	simm.s32 $0x108;
	s8 =	sld [smem:$0x3FAA]  }
0x2e: {  	s3 =	simm.s32 @!p0 $0x1082;
	s9 =	sld [smem:$0x3FAB]  }
0x2f: {  	lr =	sadd.s32 s0, s3;
	s0 =	sld [smem:$0x3FA2]  }
0x30: {  	s3 =	sld [smem:$0x3FA5]  }
0x31: {  	[smem:$0x3FAE] =	sst s10  }
0x32: {  	s10 =	sld [smem:$0x3FAC];
	_ =	sdelay $0x3  }
0x33: {  	p0 =	seq.s32 s10, $0x1;
	s10 =	sld [smem:$0x3FAE];
	_ =	sdelay $0x3  }
0x34: {  	[smem:$0x3FAE] =	sst s10  }
0x35: {  	s10 =	sld [smem:$0x3FAD];
	_ =	sdelay $0x3  }
0x36: {  	p1 =	seq.s32 s10, $0x1;
	s10 =	sld [smem:$0x3FAE];
	_ =	sdelay $0x3  }
0x37: {  	[smem:$0x3FAE] =	sst s10  }
0x38: {  	s10 =	sld [smem:$0x3FAF]  }
0x39: {  	_ = 	snop;
	(pc) =	sbr.ind lr, $3  }
0x3a: {  	_ = 	snop  }
0x3b: {  	_ = 	snop  }
0x3c: {  	p2 =	seq.s32 s10, $0x1;
	s10 =	sld [smem:$0x3FAE]  }
0x3d: {  	_ =	shalt  }
0x3e: {  	_ =	shalt  }
0x3f: {  	_ =	shalt  }
0x40: {  	_ =	shalt  }
0x41: {  	_ =	shalt  }
0x42: {  	_ =	shalt  }
0x43: {  	_ =	shalt  }
0x44: {  	_ =	shalt  }
0x45: {  	_ =	shalt  }
0x46: {  	_ =	shalt  }
0x47: {  	_ =	shalt  }
0x48: {  	_ =	shalt  }
0x49: {  	_ =	shalt  }
0x4a: {  	_ =	shalt  }
0x4b: {  	_ =	shalt  }
0x4c: {  	_ =	shalt  }
0x4d: {  	_ =	shalt  }
0x4e: {  	_ =	shalt  }
0x4f: {  	_ =	shalt  }
0x50: {  	_ =	shalt  }
0x51: {  	_ =	shalt  }
0x52: {  	_ =	shalt  }
0x53: {  	_ =	shalt  }
0x54: {  	_ =	shalt  }
0x55: {  	_ =	shalt  }
0x56: {  	_ =	shalt  }
0x57: {  	_ =	shalt  }
0x58: {  	_ =	shalt  }
0x59: {  	_ =	shalt  }
0x5a: {  	_ =	shalt  }
0x5b: {  	_ =	shalt  }
0x5c: {  	_ =	shalt  }
0x5d: {  	_ =	shalt  }
0x5e: {  	_ =	shalt  }
0x5f: {  	_ =	shalt  }
0x60: {  	_ =	shalt  }
0x61: {  	_ =	shalt  }
0x62: {  	_ =	shalt  }
0x63: {  	_ =	shalt  }
0x64: {  	_ =	shalt  }
0x65: {  	_ =	shalt  }
0x66: {  	_ =	shalt  }
0x67: {  	_ =	shalt  }
0x68: {  	_ =	shalt  }
0x69: {  	_ =	shalt  }
0x6a: {  	_ =	shalt  }
0x6b: {  	_ =	shalt  }
0x6c: {  	_ =	shalt  }
0x6d: {  	_ =	shalt  }
0x6e: {  	_ =	shalt  }
0x6f: {  	_ =	shalt  }
0x70: {  	_ =	shalt  }
0x71: {  	_ =	shalt  }
0x72: {  	_ =	shalt  }
0x73: {  	_ =	shalt  }
0x74: {  	_ =	shalt  }
0x75: {  	_ =	shalt  }
0x76: {  	_ =	shalt  }
0x77: {  	_ =	shalt  }
0x78: {  	_ =	shalt  }
0x79: {  	_ =	shalt  }
0x7a: {  	_ =	shalt  }
0x7b: {  	_ =	shalt  }
0x7c: {  	_ =	shalt  }
0x7d: {  	_ =	shalt  }
0x7e: {  	_ =	shalt  }
0x7f: {  	_ =	shalt  }
0x80: {  	_ =	shalt  }
0x81: {  	_ =	shalt  }
0x82: {  	_ =	shalt  }
0x83: {  	_ =	shalt  }
0x84: {  	_ =	shalt  }
0x85: {  	_ =	shalt  }
0x86: {  	_ =	shalt  }
0x87: {  	_ =	shalt  }
.Lfunc_end0:
.L_simem_size_0:
called_computation_lowered:
.L_overlay_start_0:
0x88: {  	s2 =	sld [smem:$0x3FD9]  }
0x89: {  	s3 =	sld [smem:$0x3FFE];
	_ =	sdelay $0x1  }
0x8a: {  	s1 =	srdreg.scid  }
0x8b: {  	s0 =	sand.u32 $0x1, s1  }
0x8c: {  	s14 =	sshll.u32 s0, $0xA;
	s2 =	sadd.s32 s3, s2  }
0x8d: {  	s2 =	sadd.s32 s2, s14  }
0x8e: {  	[smem:$0x3FBA] =	sst s2  }
0x8f: {  	_ = 	snop  }
0x90: {  	s2 =	sld [smem:$0x3FD0];
	_ =	sdelay $0x2  }
0x91: {  	s4 =	simm.s32 $0xA;
	s5 =	simm.s32 $0x10;
	s15 =	sld [smem:$0x3FC9]  }
0x92: {  	[smem:s5], [sflag:s4] =	dma.local [hbm:s2], $0x1  }
0x93: {  	_ =	swait.eq [sflag:s4], $0x1  }
0x94: {  	[sflag:s4] =	ssyncset.done $0x0  }
0x95: {  	[sflag:s4] =	ssyncadd.s32 $0xFFFFFFFF  }
0x96: {  	s16 =	sld [smem:$0x10];
	(tm) =	ssettm $0x1  }
0x97: {  	s17 =	sld [smem:$0x3FFB];
	_ =	sdelay $0x3  }
0x98: {  	_ =	strace s17  }
0x99: {  	s4 =	sld [smem:$0x3FFC];
	_ =	sdelay $0x3  }
0x9a: {  	_ =	strace s4  }
0x9b: {  	s4 =	sld [smem:$0x3FFD];
	_ =	sdelay $0x3  }
0x9c: {  	_ =	strace s4  }
0x9d: {  	_ =	strace $0x8FFFFFFF  }
0x9e: {  	s18 =	sld [smem:$0x3FDB];
	_ =	sdelay $0x1  }
0x9f: {  	s19 =	simm.s32 $_scs_section_size  }
0xa0: {  	s6 =	simm.s32 $_size__tile_overlayer_lowered;
	s7 =	simm.s32 $_tile_overlayer_lowered  }
0xa1: {  	s22 =	simm.s32 $0x1BFF;
	s21 =	sshll.u32 s7, $0x1;
	s4 =	sadd.s32 s19, s18  }
0xa2: {  	s8 =	simm.s32 $0x0;
	s20 =	sshll.u32 s6, $0x1;
	s6 =	sadd.s32 s21, s4  }
0xa3: {  	[timem:s8], [sflag:s22] =	dma.local [hbm:s6], s20  }
0xa4: {  	_ =	swait.ge [sflag:s22], s20  }
0xa5: {  	s5 =	ssub.s32 $0x0, s20;
	[sflag:s22] =	ssyncset.done $0x0  }
0xa6: {  	[sflag:s22] =	ssyncadd.s32 s5;
	_ =	sdelay $0x1  }
0xa7: {  	s23 =	simm.s32 $0x1B8B  }
0xa8: {  	_ =	swait.ge [sflag:s23], $0x1  }
0xa9: {  	[sflag:s23] =	ssyncset.done $0x0  }
0xaa: {  	s25 =	simm.s32 $0x1B8E;
	s24 =	sld [smem:$0x3FFE];
	[sflag:s23] =	ssyncadd.s32 $0xFFFFFFFF  }
0xab: {  	s26 =	simm.s32 $execute0_lowered;
	[smem:$0x3FD2] =	sst s25  }
0xac: {  	s6 =	sshll.u32 s26, $0x1;
	_ =	strace $0x80000046;
	[dreg:$0x1] =	wrdreg $0xFFFFFFFF  }
0xad: {  	s28 =	simm.s32 $_size_execute0_lowered;
	s4 =	sadd.s32 s4, s6;
	[dreg:$0x0] =	wrdreg $0x0  }
0xae: {  	s6 =	sshll.u32 s28, $0x1;
	[dreg:$0x2] =	wrdreg s4  }
0xaf: {  	[dreg:$0x3] =	wrdreg s6  }
0xb0: {  	[dreg:$0x4] =	wrdreg $0xC0  }
0xb1: {  	_ =	task [dreg:s8], $0x5FFFF  }
0xb2: {  	[dreg:$0x1] =	wrdreg $0xFFFFFFFF  }
0xb3: {  	[dreg:$0x0] =	wrdreg $0x60  }
0xb4: {  	[dreg:$0x2] =	wrdreg s15  }
0xb5: {  	[dreg:$0x3] =	wrdreg s16  }
0xb6: {  	[dreg:$0x4] =	wrdreg s24  }
0xb7: {  	[dreg:$0x5] =	wrdreg $0x9  }
0xb8: {  	_ =	task.clear_ibuf [dreg:s8], $0x6FFFF;
	_ =	strace $0x90000046  }
0xb9: {  	s29 =	simm.s32 $0x9;
	_ =	strace $0x80000048  }
0xba: {  	_ =	swait.ge [sflag:s29], $0x1  }
0xbb: {  	[sflag:s29] =	ssyncadd.s32 $0xFFFFFFFF  }
0xbc: {  	_ =	strace $0x90000048  }
0xbd: {  	_ =	sfence  }
0xbe: {  	s30 =	sld [smem:$0x0];
	_ =	sdelay $0x2  }
0xbf: {  	s31 =	sshll.u32 s1, $0xD;
	s1 =	sshrl.u32 s1, $0x2  }
0xc0: {  	s3 =	sand.u32 $0x4000, s31;
	s1 =	sadd.s32 s1, s30  }
0xc1: {  	s0 =	sor.u32 s3, s0;
	s1 =	sshll.u32 s1, $0x11  }
0xc2: {  	s0 =	sor.u32 s1, s0  }
0xc3: {  	s0 =	sadd.s32 $0x8F2B, s0  }
0xc4: {  	[sflag:s0] =	ssyncadd.remote.s32 $0x1  }
0xc5: {  	_ =	sfence.sel $0xFFFF  }
0xc6: {  	[dreg:$0x0] =	wrdreg $0xFFFFFFFF;
	(pc) =	sbr.abs _section_cstart, $3  }
0xc7: {  	[dreg:$0x1] =	wrdreg $0xFFFFFFFF  }
0xc8: {  	_ =	task.clear_ibuf [dreg:s8], $0x2FFFF;
	_ =	strace $0x9FFFFFFF  }
0xc9: {  	(tm) =	ssettm $0x7FFFFFFF  }
tec
execute0_lowered:
.L_overlay_start_1:
0x0: {  	(tag) =	ssettag $0x1  }
0x1: {  	s0 =	rddreg [dreg:$0x0]  }
0x2: {  	s2 =	rddreg [dreg:$0x1]  }
0x3: {  	s3 =	rddreg [dreg:$0x2];
	s1 =	simm.s32 $0x0;
	s4 =	srdreg.scid  }
0x4: {  	s19 =	stileid.u32;
	s14 =	simm.s32 $0x2;
	s16 =	simm.s32 $0x100  }
0x5: {  	s17 =	simm.s32 $0x200;
	s28 =	simm.s32 $0x8E80;
	s29 =	simm.s32 $0xAA80  }
0x6: {  	s30 =	simm.s32 $0xC680;
	s31 =	simm.s32 $0xE280;
	s15 =	simm.s32 $0x13680  }
0x7: {  	s18 =	simm.s32 $0x0;
	[smem:$0x7FF] =	sst s1;
	s5 =	sadd.s32 $0x2A00, s3  }
0x8: {  	s4 =	sand.u32 $0x1, s4;
	s9 =	sadd.s32 $0x2D00, s3;
	s10 =	sadd.s32 $0x2E00, s3  }
0x9: {  	s11 =	sadd.s32 $0x2F00, s3;
	_ =	strace $0x80000047;
	[dreg:$0x4] =	wrdreg s5  }
0xa: {  	s5 =	sshll.u32 s19, $0x5;
	s6 =	sshll.u32 s4, $0x4;
	s7 =	ssub.s32 $0x2, s4  }
0xb: {  	s4 =	sadd.s32 $0x2C00, s3;
	s5 =	sor.u32 s6, s5;
	s20 =	sshrl.u32 s7, $0x1  }
0xc: {  	s12 =	sadd.s32 s5, s3;
	s6 =	ssub.s32 s7, s20;
	s21 =	smul.u32 $0x300, s5  }
0xd: {  	s2 =	sadd.s32 s2, s5;
	s3 =	simm.s32 $0x15280;
	s5 =	simm.s32 $0x16E80  }
0xe: {  	s7 =	simm.s32 $0x1A680;
	[dreg:$0x5] =	wrdreg s2;
	s22 =	sadd.s32 $0x2800, s12  }
0xf: {  	s23 =	sadd.s32 $0x2600, s12;
	s24 =	sadd.s32 $0xD4C00, s12;
	[dreg:$0x6] =	wrdreg s22  }
0x10: {  	s25 =	smax.u32 s6, $0x1;
	s2 =	simm.s32 $0x11A80;
	[dreg:$0x7] =	wrdreg s23  }
0x11: {  	s6 =	simm.s32 $0x18A80;
	s12 =	simm.s32 $0x1;
	[dreg:$0x8] =	wrdreg s24  }
0x12: {  	v2 =	vlaneseq.u32;
	s8 =	sadd.s32 s0, s21;
	[dreg:$0x9] =	wrdreg s25;
	s0 =	simm.s32 $0xFE80  }
0x13: {  	vm0 =	vmmov $0xffff;
	vm1 =	vmmov $0xff;
	v1 =	vshrl.u32 v2, $0x3;
	s26 =	sadd.s32 $0x300, s8;
	s21 =	sadd.s32 $0x600, s8;
	s23 =	sadd.s32 $0x900, s8  }
0x14: {  	v0 =	vand.u32 $0x7, v2;
	v2 =	vor.u32 $0x8, v2;
	v1 =	vmul.u32 $0x8, v1;
	s25 =	sadd.s32 $0xC00, s8;
	[dreg:$0xa] =	wrdreg s26;
	s26 =	simm.s32 $0x7280  }
.LBB2_1:
0x15: {  	s13 =	rddreg [dreg:$0x5]  }
0x16: {  	[tilespmem:s1], [sflag:$0x2] =	stream.linear.gather [hbm4b:s13+s1], $0x80, $0x38;
	[tilespmem:$0x1C280] =	vst v63  }
0x17: {  	_ =	swait.ge [sflag:s14], $0x80  }
0x18: {  	[sflag:s14] =	ssyncset.done $0x0  }
0x19: {  	s19 =	simm.s32 $0x80;
	s20 =	rddreg [dreg:$0x6];
	[sflag:s14] =	ssyncadd.s32 $0xFFFFFF80  }
0x1a: {  	[tilespmem:s19], [sflag:$0x2] =	stream.linear.gather [hbm4b:s20+s1], $0x80, $0x38;
	[tilespmem:$0x1C280] =	vst v63  }
0x1b: {  	_ =	swait.ge [sflag:s14], $0x80  }
0x1c: {  	[sflag:s14] =	ssyncset.done $0x0  }
0x1d: {  	s22 =	rddreg [dreg:$0x4];
	[sflag:s14] =	ssyncadd.s32 $0xFFFFFF80  }
0x1e: {  	[tilespmem:s16], [sflag:$0x2] =	stream.linear.gather [hbm4b:s22+s1], $0x80, $0x38;
	[tilespmem:$0x1C280] =	vst v63  }
0x1f: {  	_ =	swait.ge [sflag:s14], $0x80  }
0x20: {  	[sflag:s14] =	ssyncset.done $0x0  }
0x21: {  	s24 =	rddreg [dreg:$0x7];
	[sflag:s14] =	ssyncadd.s32 $0xFFFFFF80  }
0x22: {  	[tilespmem:s17], [sflag:$0x2] =	stream.linear.gather [hbm4b:s24+s1], $0x80, $0x38;
	[tilespmem:$0x1C280] =	vst v63  }
0x23: {  	_ =	swait.ge [sflag:s14], $0x80  }
0x24: {  	[sflag:s14] =	ssyncset.done $0x0  }
0x25: {  	[sflag:s14] =	ssyncadd.s32 $0xFFFFFF80  }
0x26: {  	v3 =	vld [tilespmem:$0x0];
	_ =	sdelay $0x5  }
0x27: {  	v4 =	vld [tilespmem:$0x80]  }
0x28: {  	v5 =	vld [tilespmem:$0x10]  }
0x29: {  	v3 =	vld.idx.msk [tilespmem:v3+s16+$0x0], $0xffff;
	_ =	sdelay $0x4  }
0x2a: {  	v3 =	vadd.s32 v4, v3;
	v4 =	vld [tilespmem:$0x90]  }
0x2b: {  	[tilespmem:$0x180] =	vst v3;
	v3 =	vld [tilespmem:$0x20]  }
0x2c: {  	v5 =	vld.idx.msk [tilespmem:v5+s16+$0x0], $0xffff;
	_ =	sdelay $0x4  }
0x2d: {  	v4 =	vadd.s32 v4, v5;
	v5 =	vld [tilespmem:$0xA0]  }
0x2e: {  	[tilespmem:$0x190] =	vst v4;
	v4 =	vld [tilespmem:$0x30]  }
0x2f: {  	v3 =	vld.idx.msk [tilespmem:v3+s16+$0x0], $0xffff;
	_ =	sdelay $0x4  }
0x30: {  	v3 =	vadd.s32 v5, v3;
	v5 =	vld [tilespmem:$0xB0]  }
0x31: {  	[tilespmem:$0x1A0] =	vst v3;
	v3 =	vld [tilespmem:$0x40]  }
0x32: {  	v4 =	vld.idx.msk [tilespmem:v4+s16+$0x0], $0xffff;
	_ =	sdelay $0x4  }
0x33: {  	v4 =	vadd.s32 v5, v4;
	v5 =	vld [tilespmem:$0xC0]  }
0x34: {  	[tilespmem:$0x1B0] =	vst v4;
	v4 =	vld [tilespmem:$0x50]  }
0x35: {  	v3 =	vld.idx.msk [tilespmem:v3+s16+$0x0], $0xffff;
	_ =	sdelay $0x4  }
0x36: {  	v3 =	vadd.s32 v5, v3;
	v5 =	vld [tilespmem:$0xD0]  }
0x37: {  	[tilespmem:$0x1C0] =	vst v3;
	v3 =	vld [tilespmem:$0x60]  }
0x38: {  	v4 =	vld.idx.msk [tilespmem:v4+s16+$0x0], $0xffff;
	_ =	sdelay $0x4  }
0x39: {  	v4 =	vadd.s32 v5, v4;
	v5 =	vld [tilespmem:$0xE0]  }
0x3a: {  	[tilespmem:$0x1D0] =	vst v4;
	v4 =	vld [tilespmem:$0x70]  }
0x3b: {  	v3 =	vld.idx.msk [tilespmem:v3+s16+$0x0], $0xffff;
	_ =	sdelay $0x4  }
0x3c: {  	v3 =	vadd.s32 v5, v3  }
0x3d: {  	[tilespmem:$0x1E0] =	vst v3;
	v3 =	vld [tilespmem:$0xF0]  }
0x3e: {  	v4 =	vld.idx.msk [tilespmem:v4+s16+$0x0], $0xffff;
	_ =	sdelay $0x1  }
0x3f: {  	v5 =	vmov s1;
	_ =	sdelay $0x2  }
0x40: {  	v3 =	vadd.s32 v3, v4  }
0x41: {  	[tilespmem:$0x1F0] =	vst v3  }
0x42: {  	s19 =	simm.s32 $0x1;
	s20 =	simm.s32 $0x0;
	v3 =	vld.idx.msk [tilespmem:v5+s17+$0x0], $0xffff  }
0x43: {  	s22 =	smul.u32 $0x7000, s20;
	v4 =	vmov s19;
	_ =	sdelay $0x1  }
0x44: {  	s13 =	sshra.s32 s22, $0x2;
	s24 =	sand.u32 $0x380, s1  }
0x45: {  	s20 =	sor.u32 s24, s13  }
0x46: {  	[tilespmem:s20+$0x1A80] =	vst v3  }
0x47: {  	s22 =	simm.s32 $0x0;
	s13 =	simm.s32 $0x2;
	v3 =	vld.idx.msk [tilespmem:v4+s17+$0x0], $0xffff  }
0x48: {  	s24 =	smul.u32 $0x7000, s22;
	s22 =	simm.s32 $0x0;
	s20 =	simm.s32 $0x3;
	v4 =	vmov s13  }
.LBB2_2:
0x49: {  	p0 =	sne.s32 s20, $0x7F;
	s22 =	sadd.s32 $0x80, s22  }
0x4a: {  	s19 =	sand.u32 $0x380, s22;
	s24 =	sshra.s32 s24, $0x2  }
.Ltmp0:
0x4b: {  	s19 =	sor.u32 s19, s24;
	(pc) =	sbr.rel @p0 .LBB2_2-.Ltmp0, $4  }
0x4c: {  	[tilespmem:s19+$0x1A80] =	vst v3  }
0x4d: {  	v3 =	vld.idx.msk [tilespmem:v4+s17+$0x0], $0xffff  }
0x4e: {  	s19 =	sshrl.u32 s13, $0x3;
	s13 =	smov.u32 s20  }
0x4f: {  	s20 =	sadd.s32 $0x1, s20;
	v4 =	vmov s13;
	s24 =	smul.u32 $0x7000, s19  }
0x50: {  	s19 =	sadd.s32 $0x80, s22  }
0x51: {  	s20 =	sand.u32 $0x380, s19;
	s24 =	sshra.s32 s24, $0x2  }
0x52: {  	s20 =	sor.u32 s20, s24  }
0x53: {  	[tilespmem:s20+$0x1A80] =	vst v3  }
0x54: {  	s13 =	sshrl.u32 s13, $0x3;
	v3 =	vld.idx.msk [tilespmem:v4+s17+$0x0], $0xffff  }
0x55: {  	s13 =	smul.u32 $0x7000, s13  }
0x56: {  	s19 =	sadd.s32 $0x80, s19  }
0x57: {  	s19 =	sand.u32 $0x380, s19;
	s13 =	sshra.s32 s13, $0x2  }
0x58: {  	s13 =	sor.u32 s19, s13  }
0x59: {  	s19 =	simm.s32 $0x280;
	[tilespmem:s13+$0x1A80] =	vst v3  }
0x5a: {  	[tilespmem:s19], [sflag:$0x2] =	stream.linear.gather [hbm4b:s8+s1], $0x1800, $0x38;
	[tilespmem:$0x1C280] =	vst v63  }
0x5b: {  	s24 =	rddreg [dreg:$0xa];
	s20 =	simm.s32 $0x1E80  }
0x5c: {  	[tilespmem:s20], [sflag:$0x2] =	stream.linear.gather [hbm4b:s24+s1], $0x1800, $0x38;
	[tilespmem:$0x1C280] =	vst v63  }
0x5d: {  	s22 =	simm.s32 $0x3A80  }
0x5e: {  	[tilespmem:s22], [sflag:$0x2] =	stream.linear.gather [hbm4b:s21+s1], $0x1800, $0x38;
	[tilespmem:$0x1C280] =	vst v63  }
0x5f: {  	s24 =	simm.s32 $0x5680  }
0x60: {  	[tilespmem:s24], [sflag:$0x2] =	stream.linear.gather [hbm4b:s23+s1], $0x1800, $0x38;
	[tilespmem:$0x1C280] =	vst v63  }
0x61: {  	_ = 	snop  }
0x62: {  	[tilespmem:s26], [sflag:$0x2] =	stream.linear.gather [hbm4b:s25+s1], $0x1800, $0x38;
	[tilespmem:$0x1C280] =	vst v63  }
0x63: {  	s13 =	sadd.s32 $0xF00, s8  }
0x64: {  	[tilespmem:s28], [sflag:$0x2] =	stream.linear.gather [hbm4b:s13+s1], $0x1800, $0x38;
	[tilespmem:$0x1C280] =	vst v63  }
0x65: {  	s13 =	sadd.s32 $0x1200, s8  }
0x66: {  	[tilespmem:s29], [sflag:$0x2] =	stream.linear.gather [hbm4b:s13+s1], $0x1800, $0x38;
	[tilespmem:$0x1C280] =	vst v63  }
0x67: {  	s13 =	sadd.s32 $0x1500, s8  }
0x68: {  	[tilespmem:s30], [sflag:$0x2] =	stream.linear.gather [hbm4b:s13+s1], $0x1800, $0x38;
	[tilespmem:$0x1C280] =	vst v63  }
0x69: {  	s13 =	sadd.s32 $0x1800, s8  }
0x6a: {  	[tilespmem:s31], [sflag:$0x2] =	stream.linear.gather [hbm4b:s13+s1], $0x1800, $0x38;
	[tilespmem:$0x1C280] =	vst v63  }
0x6b: {  	s13 =	sadd.s32 $0x1B00, s8  }
0x6c: {  	[tilespmem:s0], [sflag:$0x2] =	stream.linear.gather [hbm4b:s13+s1], $0x1800, $0x38;
	[tilespmem:$0x1C280] =	vst v63  }
0x6d: {  	s13 =	sadd.s32 $0x1E00, s8  }
0x6e: {  	[tilespmem:s2], [sflag:$0x2] =	stream.linear.gather [hbm4b:s13+s1], $0x1800, $0x38;
	[tilespmem:$0x1C280] =	vst v63  }
0x6f: {  	s13 =	sadd.s32 $0x2100, s8  }
0x70: {  	[tilespmem:s15], [sflag:$0x2] =	stream.linear.gather [hbm4b:s13+s1], $0x1800, $0x38;
	[tilespmem:$0x1C280] =	vst v63  }
0x71: {  	s13 =	sadd.s32 $0x2400, s8  }
0x72: {  	[tilespmem:s3], [sflag:$0x2] =	stream.linear.gather [hbm4b:s13+s1], $0x1800, $0x38;
	[tilespmem:$0x1C280] =	vst v63  }
0x73: {  	s13 =	sadd.s32 $0x2700, s8  }
0x74: {  	[tilespmem:s5], [sflag:$0x2] =	stream.linear.gather [hbm4b:s13+s1], $0x1800, $0x38;
	[tilespmem:$0x1C280] =	vst v63  }
0x75: {  	s13 =	sadd.s32 $0x2A00, s8  }
0x76: {  	[tilespmem:s6], [sflag:$0x2] =	stream.linear.gather [hbm4b:s13+s1], $0x1800, $0x38;
	[tilespmem:$0x1C280] =	vst v63  }
0x77: {  	s13 =	sadd.s32 $0x2D00, s8  }
0x78: {  	[tilespmem:s7], [sflag:$0x2] =	stream.linear.gather [hbm4b:s13+s1], $0x1800, $0x38;
	[tilespmem:$0x1C280] =	vst v63  }
0x79: {  	_ =	swait.ge [sflag:s14], $0x18000  }
0x7a: {  	[sflag:s14] =	ssyncset.done $0x0  }
0x7b: {  	[sflag:s14] =	ssyncadd.s32 $0xFFFE8000  }
0x7c: {  	v3 =	vld [tilespmem:$0x180];
	_ =	sdelay $0x4  }
0x7d: {  	v56 =	vshrl.u32 v3, $0x3  }
0x7e: {  	v4 =	vmul.u32 $0x38, v56  }
0x7f: {  	v3 =	vand.u32 $0x7, v3  }
0x80: {  	v3 =	vor.u32 v3, v4  }
0x81: {  	v4 =	vperm.xlane v3, v0;
	_ =	sdelay $0x1  }
0x82: {  	v4 =	vadd.s32 v1, v4;
	_ =	sdelay $0x4  }
0x83: {  	[hbm4b:s4+s1] =	stream.indirect_vreg.scatter [tilespmem:s19], [sflag:$0x1], $0x80, v4, vm0, $0xb8;
	[tilespmem:$0x1C280] =	vst v63  }
0x84: {  	v3 =	vperm.xlane v3, v2;
	s19 =	simm.s32 $0xA80  }
0x85: {  	[hbm4b:s9+s1] =	stream.indirect_vreg.scatter [tilespmem:s19], [sflag:$0x1], $0x80, v4, vm0, $0xb8;
	[tilespmem:$0x1C280] =	vst v63  }
0x86: {  	v3 =	vadd.s32 v1, v3;
	s19 =	simm.s32 $0x1280  }
0x87: {  	[hbm4b:s10+s1] =	stream.indirect_vreg.scatter [tilespmem:s19], [sflag:$0x1], $0x80, v4, vm0, $0xb8;
	[tilespmem:$0x1C280] =	vst v63  }
0x88: {  	s19 =	simm.s32 $0x1A80  }
0x89: {  	[hbm4b:s11+s1] =	stream.indirect_vreg.scatter [tilespmem:s19], [sflag:$0x1], $0x80, v4, vm1, $0xb8;
	[tilespmem:$0x1C280] =	vst v63  }
0x8a: {  	_ = 	snop  }
0x8b: {  	[hbm4b:s4+s1] =	stream.indirect_vreg.scatter [tilespmem:s20], [sflag:$0x1], $0x80, v3, vm0, $0xb8;
	[tilespmem:$0x1C280] =	vst v63  }
0x8c: {  	s20 =	simm.s32 $0x2680  }
0x8d: {  	[hbm4b:s9+s1] =	stream.indirect_vreg.scatter [tilespmem:s20], [sflag:$0x1], $0x80, v3, vm0, $0xb8;
	[tilespmem:$0x1C280] =	vst v63  }
0x8e: {  	s19 =	simm.s32 $0x2E80  }
0x8f: {  	[hbm4b:s10+s1] =	stream.indirect_vreg.scatter [tilespmem:s19], [sflag:$0x1], $0x80, v3, vm0, $0xb8;
	[tilespmem:$0x1C280] =	vst v63  }
0x90: {  	s20 =	simm.s32 $0x3680  }
0x91: {  	[hbm4b:s11+s1] =	stream.indirect_vreg.scatter [tilespmem:s20], [sflag:$0x1], $0x80, v3, vm1, $0xb8;
	[tilespmem:$0x1C280] =	vst v63  }
0x92: {  	v3 =	vld [tilespmem:$0x190];
	_ =	sdelay $0x4  }
0x93: {  	v57 =	vshrl.u32 v3, $0x3  }
0x94: {  	v4 =	vmul.u32 $0x38, v57  }
0x95: {  	v3 =	vand.u32 $0x7, v3  }
0x96: {  	v3 =	vor.u32 v3, v4  }
0x97: {  	v4 =	vperm.xlane v3, v0;
	_ =	sdelay $0x1  }
0x98: {  	v4 =	vadd.s32 v1, v4;
	_ =	sdelay $0x4  }
0x99: {  	[hbm4b:s4+s1] =	stream.indirect_vreg.scatter [tilespmem:s22], [sflag:$0x1], $0x80, v4, vm0, $0xb8;
	[tilespmem:$0x1C280] =	vst v63  }
0x9a: {  	v3 =	vperm.xlane v3, v2;
	s22 =	simm.s32 $0x4280  }
0x9b: {  	[hbm4b:s9+s1] =	stream.indirect_vreg.scatter [tilespmem:s22], [sflag:$0x1], $0x80, v4, vm0, $0xb8;
	[tilespmem:$0x1C280] =	vst v63  }
0x9c: {  	s19 =	simm.s32 $0x4A80;
	v3 =	vadd.s32 v1, v3  }
0x9d: {  	[hbm4b:s10+s1] =	stream.indirect_vreg.scatter [tilespmem:s19], [sflag:$0x1], $0x80, v4, vm0, $0xb8;
	[tilespmem:$0x1C280] =	vst v63  }
0x9e: {  	s20 =	simm.s32 $0x5280  }
0x9f: {  	[hbm4b:s11+s1] =	stream.indirect_vreg.scatter [tilespmem:s20], [sflag:$0x1], $0x80, v4, vm1, $0xb8;
	[tilespmem:$0x1C280] =	vst v63  }
0xa0: {  	_ = 	snop  }
0xa1: {  	[hbm4b:s4+s1] =	stream.indirect_vreg.scatter [tilespmem:s24], [sflag:$0x1], $0x80, v3, vm0, $0xb8;
	[tilespmem:$0x1C280] =	vst v63  }
0xa2: {  	s22 =	simm.s32 $0x5E80  }
0xa3: {  	[hbm4b:s9+s1] =	stream.indirect_vreg.scatter [tilespmem:s22], [sflag:$0x1], $0x80, v3, vm0, $0xb8;
	[tilespmem:$0x1C280] =	vst v63  }
0xa4: {  	s24 =	simm.s32 $0x6680  }
0xa5: {  	[hbm4b:s10+s1] =	stream.indirect_vreg.scatter [tilespmem:s24], [sflag:$0x1], $0x80, v3, vm0, $0xb8;
	[tilespmem:$0x1C280] =	vst v63  }
0xa6: {  	s19 =	simm.s32 $0x6E80  }
0xa7: {  	[hbm4b:s11+s1] =	stream.indirect_vreg.scatter [tilespmem:s19], [sflag:$0x1], $0x80, v3, vm1, $0xb8;
	[tilespmem:$0x1C280] =	vst v63  }
0xa8: {  	v3 =	vld [tilespmem:$0x1A0];
	_ =	sdelay $0x4  }
0xa9: {  	v58 =	vshrl.u32 v3, $0x3  }
0xaa: {  	v4 =	vmul.u32 $0x38, v58  }
0xab: {  	v3 =	vand.u32 $0x7, v3  }
0xac: {  	v3 =	vor.u32 v3, v4  }
0xad: {  	v4 =	vperm.xlane v3, v0;
	_ =	sdelay $0x1  }
0xae: {  	v4 =	vadd.s32 v1, v4;
	_ =	sdelay $0x4  }
0xaf: {  	[hbm4b:s4+s1] =	stream.indirect_vreg.scatter [tilespmem:s26], [sflag:$0x1], $0x80, v4, vm0, $0xb8;
	[tilespmem:$0x1C280] =	vst v63  }
0xb0: {  	s20 =	simm.s32 $0x7A80;
	v3 =	vperm.xlane v3, v2  }
0xb1: {  	[hbm4b:s9+s1] =	stream.indirect_vreg.scatter [tilespmem:s20], [sflag:$0x1], $0x80, v4, vm0, $0xb8;
	[tilespmem:$0x1C280] =	vst v63  }
0xb2: {  	s22 =	simm.s32 $0x8280;
	v3 =	vadd.s32 v1, v3  }
0xb3: {  	[hbm4b:s10+s1] =	stream.indirect_vreg.scatter [tilespmem:s22], [sflag:$0x1], $0x80, v4, vm0, $0xb8;
	[tilespmem:$0x1C280] =	vst v63  }
0xb4: {  	s24 =	simm.s32 $0x8A80  }
0xb5: {  	[hbm4b:s11+s1] =	stream.indirect_vreg.scatter [tilespmem:s24], [sflag:$0x1], $0x80, v4, vm1, $0xb8;
	[tilespmem:$0x1C280] =	vst v63  }
0xb6: {  	_ = 	snop  }
0xb7: {  	[hbm4b:s4+s1] =	stream.indirect_vreg.scatter [tilespmem:s28], [sflag:$0x1], $0x80, v3, vm0, $0xb8;
	[tilespmem:$0x1C280] =	vst v63  }
0xb8: {  	s19 =	simm.s32 $0x9680  }
0xb9: {  	[hbm4b:s9+s1] =	stream.indirect_vreg.scatter [tilespmem:s19], [sflag:$0x1], $0x80, v3, vm0, $0xb8;
	[tilespmem:$0x1C280] =	vst v63  }
0xba: {  	s20 =	simm.s32 $0x9E80  }
0xbb: {  	[hbm4b:s10+s1] =	stream.indirect_vreg.scatter [tilespmem:s20], [sflag:$0x1], $0x80, v3, vm0, $0xb8;
	[tilespmem:$0x1C280] =	vst v63  }
0xbc: {  	s22 =	simm.s32 $0xA680  }
0xbd: {  	[hbm4b:s11+s1] =	stream.indirect_vreg.scatter [tilespmem:s22], [sflag:$0x1], $0x80, v3, vm1, $0xb8;
	[tilespmem:$0x1C280] =	vst v63  }
0xbe: {  	v3 =	vld [tilespmem:$0x1B0];
	_ =	sdelay $0x4  }
0xbf: {  	v59 =	vshrl.u32 v3, $0x3  }
0xc0: {  	v4 =	vmul.u32 $0x38, v59  }
0xc1: {  	v3 =	vand.u32 $0x7, v3  }
0xc2: {  	v3 =	vor.u32 v3, v4  }
0xc3: {  	v4 =	vperm.xlane v3, v0;
	_ =	sdelay $0x1  }
0xc4: {  	v4 =	vadd.s32 v1, v4;
	_ =	sdelay $0x4  }
0xc5: {  	[hbm4b:s4+s1] =	stream.indirect_vreg.scatter [tilespmem:s29], [sflag:$0x1], $0x80, v4, vm0, $0xb8;
	[tilespmem:$0x1C280] =	vst v63  }
0xc6: {  	s24 =	simm.s32 $0xB280;
	v3 =	vperm.xlane v3, v2  }
0xc7: {  	[hbm4b:s9+s1] =	stream.indirect_vreg.scatter [tilespmem:s24], [sflag:$0x1], $0x80, v4, vm0, $0xb8;
	[tilespmem:$0x1C280] =	vst v63  }
0xc8: {  	s19 =	simm.s32 $0xBA80;
	v3 =	vadd.s32 v1, v3  }
0xc9: {  	[hbm4b:s10+s1] =	stream.indirect_vreg.scatter [tilespmem:s19], [sflag:$0x1], $0x80, v4, vm0, $0xb8;
	[tilespmem:$0x1C280] =	vst v63  }
0xca: {  	s20 =	simm.s32 $0xC280  }
0xcb: {  	[hbm4b:s11+s1] =	stream.indirect_vreg.scatter [tilespmem:s20], [sflag:$0x1], $0x80, v4, vm1, $0xb8;
	[tilespmem:$0x1C280] =	vst v63  }
0xcc: {  	_ = 	snop  }
0xcd: {  	[hbm4b:s4+s1] =	stream.indirect_vreg.scatter [tilespmem:s30], [sflag:$0x1], $0x80, v3, vm0, $0xb8;
	[tilespmem:$0x1C280] =	vst v63  }
0xce: {  	s22 =	simm.s32 $0xCE80  }
0xcf: {  	[hbm4b:s9+s1] =	stream.indirect_vreg.scatter [tilespmem:s22], [sflag:$0x1], $0x80, v3, vm0, $0xb8;
	[tilespmem:$0x1C280] =	vst v63  }
0xd0: {  	s24 =	simm.s32 $0xD680  }
0xd1: {  	[hbm4b:s10+s1] =	stream.indirect_vreg.scatter [tilespmem:s24], [sflag:$0x1], $0x80, v3, vm0, $0xb8;
	[tilespmem:$0x1C280] =	vst v63  }
0xd2: {  	s19 =	simm.s32 $0xDE80  }
0xd3: {  	[hbm4b:s11+s1] =	stream.indirect_vreg.scatter [tilespmem:s19], [sflag:$0x1], $0x80, v3, vm1, $0xb8;
	[tilespmem:$0x1C280] =	vst v63  }
0xd4: {  	v3 =	vld [tilespmem:$0x1C0];
	_ =	sdelay $0x4  }
0xd5: {  	v60 =	vshrl.u32 v3, $0x3  }
0xd6: {  	v4 =	vmul.u32 $0x38, v60  }
0xd7: {  	v3 =	vand.u32 $0x7, v3  }
0xd8: {  	v3 =	vor.u32 v3, v4  }
0xd9: {  	v4 =	vperm.xlane v3, v0;
	_ =	sdelay $0x1  }
0xda: {  	v4 =	vadd.s32 v1, v4;
	_ =	sdelay $0x4  }
0xdb: {  	[hbm4b:s4+s1] =	stream.indirect_vreg.scatter [tilespmem:s31], [sflag:$0x1], $0x80, v4, vm0, $0xb8;
	[tilespmem:$0x1C280] =	vst v63  }
0xdc: {  	s20 =	simm.s32 $0xEA80;
	v3 =	vperm.xlane v3, v2  }
0xdd: {  	[hbm4b:s9+s1] =	stream.indirect_vreg.scatter [tilespmem:s20], [sflag:$0x1], $0x80, v4, vm0, $0xb8;
	[tilespmem:$0x1C280] =	vst v63  }
0xde: {  	s22 =	simm.s32 $0xF280;
	v3 =	vadd.s32 v1, v3  }
0xdf: {  	[hbm4b:s10+s1] =	stream.indirect_vreg.scatter [tilespmem:s22], [sflag:$0x1], $0x80, v4, vm0, $0xb8;
	[tilespmem:$0x1C280] =	vst v63  }
0xe0: {  	s24 =	simm.s32 $0xFA80  }
0xe1: {  	[hbm4b:s11+s1] =	stream.indirect_vreg.scatter [tilespmem:s24], [sflag:$0x1], $0x80, v4, vm1, $0xb8;
	[tilespmem:$0x1C280] =	vst v63  }
0xe2: {  	_ = 	snop  }
0xe3: {  	[hbm4b:s4+s1] =	stream.indirect_vreg.scatter [tilespmem:s0], [sflag:$0x1], $0x80, v3, vm0, $0xb8;
	[tilespmem:$0x1C280] =	vst v63  }
0xe4: {  	s19 =	simm.s32 $0x10680  }
0xe5: {  	[hbm4b:s9+s1] =	stream.indirect_vreg.scatter [tilespmem:s19], [sflag:$0x1], $0x80, v3, vm0, $0xb8;
	[tilespmem:$0x1C280] =	vst v63  }
0xe6: {  	s20 =	simm.s32 $0x10E80  }
0xe7: {  	[hbm4b:s10+s1] =	stream.indirect_vreg.scatter [tilespmem:s20], [sflag:$0x1], $0x80, v3, vm0, $0xb8;
	[tilespmem:$0x1C280] =	vst v63  }
0xe8: {  	s22 =	simm.s32 $0x11680  }
0xe9: {  	[hbm4b:s11+s1] =	stream.indirect_vreg.scatter [tilespmem:s22], [sflag:$0x1], $0x80, v3, vm1, $0xb8;
	[tilespmem:$0x1C280] =	vst v63  }
0xea: {  	v3 =	vld [tilespmem:$0x1D0];
	_ =	sdelay $0x4  }
0xeb: {  	v61 =	vshrl.u32 v3, $0x3  }
0xec: {  	v4 =	vmul.u32 $0x38, v61  }
0xed: {  	v3 =	vand.u32 $0x7, v3  }
0xee: {  	v3 =	vor.u32 v3, v4  }
0xef: {  	v4 =	vperm.xlane v3, v0;
	_ =	sdelay $0x1  }
0xf0: {  	v4 =	vadd.s32 v1, v4;
	_ =	sdelay $0x4  }
0xf1: {  	[hbm4b:s4+s1] =	stream.indirect_vreg.scatter [tilespmem:s2], [sflag:$0x1], $0x80, v4, vm0, $0xb8;
	[tilespmem:$0x1C280] =	vst v63  }
0xf2: {  	s24 =	simm.s32 $0x12280;
	v3 =	vperm.xlane v3, v2  }
0xf3: {  	[hbm4b:s9+s1] =	stream.indirect_vreg.scatter [tilespmem:s24], [sflag:$0x1], $0x80, v4, vm0, $0xb8;
	[tilespmem:$0x1C280] =	vst v63  }
0xf4: {  	s19 =	simm.s32 $0x12A80;
	v3 =	vadd.s32 v1, v3  }
0xf5: {  	[hbm4b:s10+s1] =	stream.indirect_vreg.scatter [tilespmem:s19], [sflag:$0x1], $0x80, v4, vm0, $0xb8;
	[tilespmem:$0x1C280] =	vst v63  }
0xf6: {  	s20 =	simm.s32 $0x13280  }
0xf7: {  	[hbm4b:s11+s1] =	stream.indirect_vreg.scatter [tilespmem:s20], [sflag:$0x1], $0x80, v4, vm1, $0xb8;
	[tilespmem:$0x1C280] =	vst v63  }
0xf8: {  	_ = 	snop  }
0xf9: {  	[hbm4b:s4+s1] =	stream.indirect_vreg.scatter [tilespmem:s15], [sflag:$0x1], $0x80, v3, vm0, $0xb8;
	[tilespmem:$0x1C280] =	vst v63  }
0xfa: {  	s22 =	simm.s32 $0x13E80  }
0xfb: {  	[hbm4b:s9+s1] =	stream.indirect_vreg.scatter [tilespmem:s22], [sflag:$0x1], $0x80, v3, vm0, $0xb8;
	[tilespmem:$0x1C280] =	vst v63  }
0xfc: {  	s24 =	simm.s32 $0x14680  }
0xfd: {  	[hbm4b:s10+s1] =	stream.indirect_vreg.scatter [tilespmem:s24], [sflag:$0x1], $0x80, v3, vm0, $0xb8;
	[tilespmem:$0x1C280] =	vst v63  }
0xfe: {  	s19 =	simm.s32 $0x14E80  }
0xff: {  	[hbm4b:s11+s1] =	stream.indirect_vreg.scatter [tilespmem:s19], [sflag:$0x1], $0x80, v3, vm1, $0xb8;
	[tilespmem:$0x1C280] =	vst v63  }
0x100: {  	v3 =	vld [tilespmem:$0x1E0];
	_ =	sdelay $0x4  }
0x101: {  	v62 =	vshrl.u32 v3, $0x3  }
0x102: {  	v4 =	vmul.u32 $0x38, v62  }
0x103: {  	v3 =	vand.u32 $0x7, v3  }
0x104: {  	v3 =	vor.u32 v3, v4  }
0x105: {  	v4 =	vperm.xlane v3, v0;
	_ =	sdelay $0x1  }
0x106: {  	v4 =	vadd.s32 v1, v4;
	_ =	sdelay $0x4  }
0x107: {  	[hbm4b:s4+s1] =	stream.indirect_vreg.scatter [tilespmem:s3], [sflag:$0x1], $0x80, v4, vm0, $0xb8;
	[tilespmem:$0x1C280] =	vst v63  }
0x108: {  	s20 =	simm.s32 $0x15A80;
	v3 =	vperm.xlane v3, v2  }
0x109: {  	[hbm4b:s9+s1] =	stream.indirect_vreg.scatter [tilespmem:s20], [sflag:$0x1], $0x80, v4, vm0, $0xb8;
	[tilespmem:$0x1C280] =	vst v63  }
0x10a: {  	s22 =	simm.s32 $0x16280;
	v3 =	vadd.s32 v1, v3  }
0x10b: {  	[hbm4b:s10+s1] =	stream.indirect_vreg.scatter [tilespmem:s22], [sflag:$0x1], $0x80, v4, vm0, $0xb8;
	[tilespmem:$0x1C280] =	vst v63  }
0x10c: {  	s24 =	simm.s32 $0x16A80  }
0x10d: {  	[hbm4b:s11+s1] =	stream.indirect_vreg.scatter [tilespmem:s24], [sflag:$0x1], $0x80, v4, vm1, $0xb8;
	[tilespmem:$0x1C280] =	vst v63  }
0x10e: {  	_ = 	snop  }
0x10f: {  	[hbm4b:s4+s1] =	stream.indirect_vreg.scatter [tilespmem:s5], [sflag:$0x1], $0x80, v3, vm0, $0xb8;
	[tilespmem:$0x1C280] =	vst v63  }
0x110: {  	s19 =	simm.s32 $0x17680  }
0x111: {  	[hbm4b:s9+s1] =	stream.indirect_vreg.scatter [tilespmem:s19], [sflag:$0x1], $0x80, v3, vm0, $0xb8;
	[tilespmem:$0x1C280] =	vst v63  }
0x112: {  	s20 =	simm.s32 $0x17E80  }
0x113: {  	[hbm4b:s10+s1] =	stream.indirect_vreg.scatter [tilespmem:s20], [sflag:$0x1], $0x80, v3, vm0, $0xb8;
	[tilespmem:$0x1C280] =	vst v63  }
0x114: {  	s22 =	simm.s32 $0x18680  }
0x115: {  	[hbm4b:s11+s1] =	stream.indirect_vreg.scatter [tilespmem:s22], [sflag:$0x1], $0x80, v3, vm1, $0xb8;
	[tilespmem:$0x1C280] =	vst v63  }
0x116: {  	v3 =	vld [tilespmem:$0x1F0];
	_ =	sdelay $0x4  }
0x117: {  	v63 =	vshrl.u32 v3, $0x3  }
0x118: {  	v4 =	vmul.u32 $0x38, v63  }
0x119: {  	v3 =	vand.u32 $0x7, v3  }
0x11a: {  	v3 =	vor.u32 v3, v4  }
0x11b: {  	v4 =	vperm.xlane v3, v0;
	_ =	sdelay $0x1  }
0x11c: {  	v4 =	vadd.s32 v1, v4;
	_ =	sdelay $0x4  }
0x11d: {  	[hbm4b:s4+s1] =	stream.indirect_vreg.scatter [tilespmem:s6], [sflag:$0x1], $0x80, v4, vm0, $0xb8;
	[tilespmem:$0x1C280] =	vst v63  }
0x11e: {  	s24 =	simm.s32 $0x19280;
	v3 =	vperm.xlane v3, v2  }
0x11f: {  	[hbm4b:s9+s1] =	stream.indirect_vreg.scatter [tilespmem:s24], [sflag:$0x1], $0x80, v4, vm0, $0xb8;
	[tilespmem:$0x1C280] =	vst v63  }
0x120: {  	s19 =	simm.s32 $0x19A80;
	v3 =	vadd.s32 v1, v3  }
0x121: {  	[hbm4b:s10+s1] =	stream.indirect_vreg.scatter [tilespmem:s19], [sflag:$0x1], $0x80, v4, vm0, $0xb8;
	[tilespmem:$0x1C280] =	vst v63  }
0x122: {  	s20 =	simm.s32 $0x1A280  }
0x123: {  	[hbm4b:s11+s1] =	stream.indirect_vreg.scatter [tilespmem:s20], [sflag:$0x1], $0x80, v4, vm1, $0xb8;
	[tilespmem:$0x1C280] =	vst v63  }
0x124: {  	_ = 	snop  }
0x125: {  	[hbm4b:s4+s1] =	stream.indirect_vreg.scatter [tilespmem:s7], [sflag:$0x1], $0x80, v3, vm0, $0xb8;
	[tilespmem:$0x1C280] =	vst v63  }
0x126: {  	s22 =	simm.s32 $0x1AE80  }
0x127: {  	[hbm4b:s9+s1] =	stream.indirect_vreg.scatter [tilespmem:s22], [sflag:$0x1], $0x80, v3, vm0, $0xb8;
	[tilespmem:$0x1C280] =	vst v63  }
0x128: {  	s24 =	simm.s32 $0x1B680  }
0x129: {  	[hbm4b:s10+s1] =	stream.indirect_vreg.scatter [tilespmem:s24], [sflag:$0x1], $0x80, v3, vm0, $0xb8;
	[tilespmem:$0x1C280] =	vst v63  }
0x12a: {  	s19 =	simm.s32 $0x1BE80  }
0x12b: {  	[hbm4b:s11+s1] =	stream.indirect_vreg.scatter [tilespmem:s19], [sflag:$0x1], $0x80, v3, vm1, $0xb8;
	[tilespmem:$0x1C280] =	vst v63  }
0x12c: {  	_ =	swait.ge [sflag:s12], $0x1C000  }
0x12d: {  	[sflag:s12] =	ssyncset.done $0x0  }
0x12e: {  	s22 =	simm.s32 $0x180;
	s20 =	rddreg [dreg:$0x8];
	[sflag:s12] =	ssyncadd.s32 $0xFFFE4000  }
0x12f: {  	[hbm4b:s20+s1] =	stream.linear.scatter [tilespmem:s22], [sflag:$0x2], $0x80, $0x38;
	[tilespmem:$0x1C280] =	vst v63  }
0x130: {  	_ =	swait.ge [sflag:s14], $0x80  }
0x131: {  	s18 =	sadd.s32 $0x1, s18;
	s24 =	rddreg [dreg:$0x9]  }
0x132: {  	p0 =	sne.s32 s18, s24  }
.Ltmp1:
0x133: {  	_ = 	snop;
	(pc) =	sbr.rel @p0 .LBB2_1-.Ltmp1, $3  }
0x134: {  	_ =	sdelay $0x1  }
0x135: {  	[sflag:s14] =	ssyncset.done $0x0  }
0x136: {  	[sflag:s14] =	ssyncadd.s32 $0xFFFFFF80  }
0x137: {  	_ =	sfence.sel $0x180000  }
0x138: {  	[bflag:$0x0] =	sbarrier.arrive $0xFFFF  }
0x139: {  	_ =	strace $0x90000047  }
0x13a: {  	s0 =	stileid.u32;
	[bflag:$0x2] =	sbarrier.arrive $0xFFFF  }
0x13b: {  	p0 =	sne.s32 s0, $0x0;
	s0 =	rddreg [dreg:$0x3]  }
0x13c: {  	s0 =	sadd.s32 @!p0 $0x100000, s0  }
0x13d: {  	[sflag:s0] =	ssyncadd.tile.s32 @!p0 $0x1;
	_ =	shalt  }
.Lfunc_end2:
_tile_overlayer_lowered:
.L_overlay_start_2:
0x13e: {  	(tag) =	ssettag $0x2  }
0x13f: {  	s0 =	rddreg [dreg:$0x0];
	s2 =	stileid.u32  }
0x140: {  	s1 =	rddreg [dreg:$0x1];
	p0 =	sne.s32 s2, $0x0  }
0x141: {  	s3 =	rddreg [dreg:$0x2];
	[bflag:$0x3] =	sbarrier.arrive $0xFFFF;
	s2 =	simm.s32 @!p0 $0x1C02  }
0x142: {  	[timem:s3], [sflag:s2] =	dma.local @!p0 [hbm:s0], s1  }
0x143: {  	s0 =	simm.s32 @!p0 $0x2  }
0x144: {  	_ =	swait.ge @!p0 [sflag:s0], s1  }
0x145: {  	s1 =	ssub.s32 @!p0 $0x0, s1;
	[sflag:s0] =	ssyncset.done @!p0 $0x0  }
0x146: {  	[sflag:s0] =	ssyncadd.s32 @!p0 s1  }
0x147: {  	[bflag:$0x3] =	sbarrier.arrive $0xFFFF  }
0x148: {  	_ =	shalt  }

// kernel: kernel.9.cloned.1.call-start
scs
__scs_entry_jumppad:
0x0: {  	(pc) =	sbr.rel $0x88, $3  }
0x1: {  	(tag) =	ssettag $0x0;
	lr =	simm.s32 $0x1  }
0x2: {  	[smem:$0x3F93] =	sst lr;
	_ =	strace $0xD0000000  }
0x3: {  	_ = 	snop  }
0x4: {  	_ = 	snop  }
0x5: {  	_ = 	snop  }
0x6: {  	_ = 	snop  }
0x7: {  	_ = 	snop  }
__scs_overlays_trampoline_lowered:
0x8: {  	[smem:$0x3FA2] =	sst s0  }
0x9: {  	[smem:$0x3FA3] =	sst s1  }
0xa: {  	[smem:$0x3FA4] =	sst s2  }
0xb: {  	[smem:$0x3FA5] =	sst s3  }
0xc: {  	[smem:$0x3FA6] =	sst s4  }
0xd: {  	[smem:$0x3FA7] =	sst s5  }
0xe: {  	[smem:$0x3FA8] =	sst s6  }
0xf: {  	[smem:$0x3FA9] =	sst s7  }
0x10: {  	[smem:$0x3FAA] =	sst s8  }
0x11: {  	[smem:$0x3FAB] =	sst s9;
	s0 =	simm.s32 @!p0 $0x0  }
0x12: {  	s1 =	sld [smem:$0x3F91];
	s0 =	simm.s32 @p0 $0x1  }
0x13: {  	[smem:$0x3FAC] =	sst s0;
	s0 =	simm.s32 @!p1 $0x0  }
0x14: {  	s2 =	sld [smem:$0x3F90];
	s0 =	simm.s32 @p1 $0x1  }
0x15: {  	[smem:$0x3FAD] =	sst s0;
	s0 =	simm.s32 @!p2 $0x0  }
0x16: {  	s3 =	sld [smem:$0x3FDB];
	s0 =	simm.s32 @p2 $0x1  }
0x17: {  	s4 =	simm.s32 $0x1BF5;
	[smem:$0x3FAF] =	sst s0  }
0x18: {  	s0 =	sld [smem:$0x3F92];
	_ =	swait.ge [sflag:s4], $0x0  }
0x19: {  	s7 =	sld [smem:$0x3F93]  }
0x1a: {  	s8 =	sadd.s32 $0xFFFFE003, lr  }
0x1b: {  	s9 =	sadd.s32 $0xFFFFFEF7, lr;
	s5 =	simm.s32 $0xFFFFFFFF;
	p2 =	slt.u32 s8, $0xFFFFF086  }
0x1c: {  	p1 =	slt.u32 s9, $0xF7A;
	s5 =	simm.s32 @!p2 $0x0  }
0x1d: {  	s5 =	simm.s32 @p1 $0x1;
	p0 =	seq.s32 s7, s2  }
0x1e: {  	s7 =	smul.u32 @!p0 $0xF7A, s2;
	p2 =	seq.s32 @!p0 s5, $0x0  }
0x1f: {  	s9 =	smul.u32 $0xF7A, s1;
	s8 =	simm.s32 @!p0 $0x1BF5;
	p2 =	por !p2, p0  }
0x20: {  	[sflag:s8] =	ssyncset.s32 @!p0 $0xFFFFF086;
	s6 =	sadd.s32 @!p0 s3, s7;
	s7 =	simm.s32 @!p0 $0x108  }
0x21: {  	s3 =	sadd.s32 s3, s9;
	s6 =	sadd.s32 @!p0 $0x88, s6;
	s7 =	simm.s32 @p2 $0x1082  }
0x22: {  	[simem:s7], [sflag:s8] =	dma.local @!p0 [hbm:s6], $0xF7A  }
0x23: {  	s9 =	sor.u32 $0xD0000000, s2;
	s6 =	simm.s32 $0x108;
	_ =	swait.ge @!p0 [sflag:s8], $0x0  }
0x24: {  	s3 =	sadd.s32 $0x88, s3;
	s6 =	simm.s32 @!p1 $0x1082;
	[sflag:s4] =	ssyncset.s32 $0xFFFFF086  }
0x25: {  	[simem:s6], [sflag:s4] =	dma.local [hbm:s3], $0xF7A  }
0x26: {  	[smem:$0x3F93] =	sst s1;
	(tag) =	ssettag s2;
	_ =	strace s9  }
0x27: {  	s1 =	sld [smem:$0x3FA3]  }
0x28: {  	s2 =	sld [smem:$0x3FA4]  }
0x29: {  	s4 =	sld [smem:$0x3FA6]  }
0x2a: {  	p0 =	seq.s32 s5, $0x0;
	s5 =	sld [smem:$0x3FA7]  }
0x2b: {  	s6 =	sld [smem:$0x3FA8]  }
0x2c: {  	s7 =	sld [smem:$0x3FA9]  }
0x2d: {  	s3 =	simm.s32 $0x108;
	s8 =	sld [smem:$0x3FAA]  }
0x2e: {  	s3 =	simm.s32 @!p0 $0x1082;
	s9 =	sld [smem:$0x3FAB]  }
0x2f: {  	lr =	sadd.s32 s0, s3;
	s0 =	sld [smem:$0x3FA2]  }
0x30: {  	s3 =	sld [smem:$0x3FA5]  }
0x31: {  	[smem:$0x3FAE] =	sst s10  }
0x32: {  	s10 =	sld [smem:$0x3FAC];
	_ =	sdelay $0x3  }
0x33: {  	p0 =	seq.s32 s10, $0x1;
	s10 =	sld [smem:$0x3FAE];
	_ =	sdelay $0x3  }
0x34: {  	[smem:$0x3FAE] =	sst s10  }
0x35: {  	s10 =	sld [smem:$0x3FAD];
	_ =	sdelay $0x3  }
0x36: {  	p1 =	seq.s32 s10, $0x1;
	s10 =	sld [smem:$0x3FAE];
	_ =	sdelay $0x3  }
0x37: {  	[smem:$0x3FAE] =	sst s10  }
0x38: {  	s10 =	sld [smem:$0x3FAF]  }
0x39: {  	_ = 	snop;
	(pc) =	sbr.ind lr, $3  }
0x3a: {  	_ = 	snop  }
0x3b: {  	_ = 	snop  }
0x3c: {  	p2 =	seq.s32 s10, $0x1;
	s10 =	sld [smem:$0x3FAE]  }
0x3d: {  	_ =	shalt  }
0x3e: {  	_ =	shalt  }
0x3f: {  	_ =	shalt  }
0x40: {  	_ =	shalt  }
0x41: {  	_ =	shalt  }
0x42: {  	_ =	shalt  }
0x43: {  	_ =	shalt  }
0x44: {  	_ =	shalt  }
0x45: {  	_ =	shalt  }
0x46: {  	_ =	shalt  }
0x47: {  	_ =	shalt  }
0x48: {  	_ =	shalt  }
0x49: {  	_ =	shalt  }
0x4a: {  	_ =	shalt  }
0x4b: {  	_ =	shalt  }
0x4c: {  	_ =	shalt  }
0x4d: {  	_ =	shalt  }
0x4e: {  	_ =	shalt  }
0x4f: {  	_ =	shalt  }
0x50: {  	_ =	shalt  }
0x51: {  	_ =	shalt  }
0x52: {  	_ =	shalt  }
0x53: {  	_ =	shalt  }
0x54: {  	_ =	shalt  }
0x55: {  	_ =	shalt  }
0x56: {  	_ =	shalt  }
0x57: {  	_ =	shalt  }
0x58: {  	_ =	shalt  }
0x59: {  	_ =	shalt  }
0x5a: {  	_ =	shalt  }
0x5b: {  	_ =	shalt  }
0x5c: {  	_ =	shalt  }
0x5d: {  	_ =	shalt  }
0x5e: {  	_ =	shalt  }
0x5f: {  	_ =	shalt  }
0x60: {  	_ =	shalt  }
0x61: {  	_ =	shalt  }
0x62: {  	_ =	shalt  }
0x63: {  	_ =	shalt  }
0x64: {  	_ =	shalt  }
0x65: {  	_ =	shalt  }
0x66: {  	_ =	shalt  }
0x67: {  	_ =	shalt  }
0x68: {  	_ =	shalt  }
0x69: {  	_ =	shalt  }
0x6a: {  	_ =	shalt  }
0x6b: {  	_ =	shalt  }
0x6c: {  	_ =	shalt  }
0x6d: {  	_ =	shalt  }
0x6e: {  	_ =	shalt  }
0x6f: {  	_ =	shalt  }
0x70: {  	_ =	shalt  }
0x71: {  	_ =	shalt  }
0x72: {  	_ =	shalt  }
0x73: {  	_ =	shalt  }
0x74: {  	_ =	shalt  }
0x75: {  	_ =	shalt  }
0x76: {  	_ =	shalt  }
0x77: {  	_ =	shalt  }
0x78: {  	_ =	shalt  }
0x79: {  	_ =	shalt  }
0x7a: {  	_ =	shalt  }
0x7b: {  	_ =	shalt  }
0x7c: {  	_ =	shalt  }
0x7d: {  	_ =	shalt  }
0x7e: {  	_ =	shalt  }
0x7f: {  	_ =	shalt  }
0x80: {  	_ =	shalt  }
0x81: {  	_ =	shalt  }
0x82: {  	_ =	shalt  }
0x83: {  	_ =	shalt  }
0x84: {  	_ =	shalt  }
0x85: {  	_ =	shalt  }
0x86: {  	_ =	shalt  }
0x87: {  	_ =	shalt  }
.Lfunc_end0:
.L_simem_size_0:
called_computation.1_lowered:
.L_overlay_start_0:
0x88: {  	s2 =	sld [smem:$0x3FD9]  }
0x89: {  	s3 =	sld [smem:$0x3FFE];
	_ =	sdelay $0x1  }
0x8a: {  	s1 =	srdreg.scid  }
0x8b: {  	s0 =	sand.u32 $0x1, s1  }
0x8c: {  	s14 =	sshll.u32 s0, $0xA;
	s2 =	sadd.s32 s3, s2  }
0x8d: {  	s2 =	sadd.s32 s2, s14  }
0x8e: {  	[smem:$0x3FBA] =	sst s2  }
0x8f: {  	_ = 	snop  }
0x90: {  	s2 =	sld [smem:$0x3FD0];
	_ =	sdelay $0x2  }
0x91: {  	s15 =	simm.s32 $0xA;
	s4 =	simm.s32 $0x10  }
0x92: {  	[smem:s4], [sflag:s15] =	dma.local [hbm:s2], $0x1  }
0x93: {  	_ =	swait.eq [sflag:s15], $0x1  }
0x94: {  	[sflag:s15] =	ssyncset.done $0x0  }
0x95: {  	[sflag:s15] =	ssyncadd.s32 $0xFFFFFFFF  }
0x96: {  	s16 =	sld [smem:$0x10];
	(tm) =	ssettm $0x1  }
0x97: {  	s17 =	sld [smem:$0x3FFB];
	_ =	sdelay $0x3  }
0x98: {  	_ =	strace s17  }
0x99: {  	s3 =	sld [smem:$0x3FFC];
	_ =	sdelay $0x3  }
0x9a: {  	_ =	strace s3  }
0x9b: {  	s3 =	sld [smem:$0x3FFD];
	_ =	sdelay $0x3  }
0x9c: {  	_ =	strace s3  }
0x9d: {  	_ =	strace $0x8FFFFFFF  }
0x9e: {  	s18 =	sld [smem:$0x3FDB];
	_ =	sdelay $0x1  }
0x9f: {  	s19 =	simm.s32 $_scs_section_size  }
0xa0: {  	s5 =	simm.s32 $_size__tile_overlayer_lowered;
	s6 =	simm.s32 $_tile_overlayer_lowered  }
0xa1: {  	s22 =	simm.s32 $0x1BFF;
	s21 =	sshll.u32 s6, $0x1;
	s3 =	sadd.s32 s19, s18  }
0xa2: {  	s7 =	simm.s32 $0x0;
	s20 =	sshll.u32 s5, $0x1;
	s5 =	sadd.s32 s21, s3  }
0xa3: {  	[timem:s7], [sflag:s22] =	dma.local [hbm:s5], s20  }
0xa4: {  	_ =	swait.ge [sflag:s22], s20  }
0xa5: {  	s4 =	ssub.s32 $0x0, s20;
	[sflag:s22] =	ssyncset.done $0x0  }
0xa6: {  	[sflag:s22] =	ssyncadd.s32 s4;
	_ =	sdelay $0x1  }
0xa7: {  	s23 =	simm.s32 $0x1B8B  }
0xa8: {  	_ =	swait.ge [sflag:s23], $0x1  }
0xa9: {  	[sflag:s23] =	ssyncset.done $0x0  }
0xaa: {  	s25 =	simm.s32 $0x1B8E;
	s24 =	sld [smem:$0x3FFE];
	[sflag:s23] =	ssyncadd.s32 $0xFFFFFFFF  }
0xab: {  	s26 =	simm.s32 $execute0_lowered;
	[smem:$0x3FD2] =	sst s25  }
0xac: {  	s5 =	sshll.u32 s26, $0x1;
	_ =	strace $0x80000049;
	[dreg:$0x1] =	wrdreg $0xFFFFFFFF  }
0xad: {  	s28 =	simm.s32 $_size_execute0_lowered;
	s3 =	sadd.s32 s3, s5;
	[dreg:$0x0] =	wrdreg $0x0  }
0xae: {  	s5 =	sshll.u32 s28, $0x1;
	[dreg:$0x2] =	wrdreg s3  }
0xaf: {  	[dreg:$0x3] =	wrdreg s5  }
0xb0: {  	[dreg:$0x4] =	wrdreg $0xC0  }
0xb1: {  	_ =	task [dreg:s7], $0x5FFFF  }
0xb2: {  	[dreg:$0x1] =	wrdreg $0xFFFFFFFF  }
0xb3: {  	[dreg:$0x0] =	wrdreg $0x60  }
0xb4: {  	[dreg:$0x2] =	wrdreg s24  }
0xb5: {  	[dreg:$0x3] =	wrdreg s16  }
0xb6: {  	[dreg:$0x4] =	wrdreg $0x9  }
0xb7: {  	_ =	task.clear_ibuf [dreg:s7], $0x5FFFF;
	_ =	strace $0x90000049  }
0xb8: {  	s29 =	simm.s32 $0x9;
	_ =	strace $0x8000004B  }
0xb9: {  	_ =	swait.ge [sflag:s29], $0x1  }
0xba: {  	[sflag:s29] =	ssyncadd.s32 $0xFFFFFFFF  }
0xbb: {  	_ =	strace $0x9000004B  }
0xbc: {  	_ =	sfence  }
0xbd: {  	s30 =	sld [smem:$0x0];
	_ =	sdelay $0x2  }
0xbe: {  	s31 =	sshll.u32 s1, $0xD;
	s1 =	sshrl.u32 s1, $0x2  }
0xbf: {  	s3 =	sand.u32 $0x4000, s31;
	s1 =	sadd.s32 s1, s30  }
0xc0: {  	s0 =	sor.u32 s3, s0;
	s1 =	sshll.u32 s1, $0x11  }
0xc1: {  	s0 =	sor.u32 s1, s0  }
0xc2: {  	s0 =	sadd.s32 $0x8F2B, s0  }
0xc3: {  	[sflag:s0] =	ssyncadd.remote.s32 $0x1  }
0xc4: {  	_ =	sfence.sel $0xFFFF  }
0xc5: {  	[dreg:$0x0] =	wrdreg $0xFFFFFFFF;
	(pc) =	sbr.abs _section_cstart, $3  }
0xc6: {  	[dreg:$0x1] =	wrdreg $0xFFFFFFFF  }
0xc7: {  	_ =	task.clear_ibuf [dreg:s7], $0x2FFFF;
	_ =	strace $0x9FFFFFFF  }
0xc8: {  	(tm) =	ssettm $0x7FFFFFFF  }
0xc9: {  	_ =	shalt  }
tec
execute0_lowered:
.L_overlay_start_1:
0x0: {  	(tag) =	ssettag $0x1  }
0x1: {  	s2 =	srdreg.scid;
	s1 =	rddreg [dreg:$0x0]  }
0x2: {  	s3 =	rddreg [dreg:$0x1];
	s4 =	sand.u32 $0x1, s2;
	s2 =	simm.s32 $0x0  }
0x3: {  	s0 =	stileid.u32;
	s25 =	simm.s32 $0x880;
	[smem:$0x7FF] =	sst s2  }
0x4: {  	s26 =	simm.s32 $0x1080;
	_ =	strace $0x8000004A;
	[dreg:$0x5] =	wrdreg s25  }
0x5: {  	s5 =	sshll.u32 s0, $0x5;
	s0 =	simm.s32 $0x1880;
	[dreg:$0x6] =	wrdreg s26  }
0x6: {  	s7 =	simm.s32 $0x3080;
	[dreg:$0x7] =	wrdreg s0  }
0x7: {  	s8 =	simm.s32 $0x3880;
	[dreg:$0xa] =	wrdreg s7  }
0x8: {  	s9 =	simm.s32 $0x4080;
	[dreg:$0xb] =	wrdreg s8  }
0x9: {  	s10 =	simm.s32 $0x4880;
	[dreg:$0xc] =	wrdreg s9  }
0xa: {  	s11 =	simm.s32 $0x5080;
	[dreg:$0xd] =	wrdreg s10  }
0xb: {  	s12 =	simm.s32 $0x5880;
	[dreg:$0xe] =	wrdreg s11  }
0xc: {  	s13 =	simm.s32 $0x6080;
	[dreg:$0xf] =	wrdreg s12  }
0xd: {  	s14 =	simm.s32 $0x6880;
	[dreg:$0x10] =	wrdreg s13  }
0xe: {  	s15 =	simm.s32 $0x7080;
	[dreg:$0x11] =	wrdreg s14  }
0xf: {  	s16 =	simm.s32 $0x7880;
	s17 =	simm.s32 $0x8080;
	[dreg:$0x12] =	wrdreg s15  }
0x10: {  	s18 =	simm.s32 $0x8880;
	s19 =	simm.s32 $0x9080;
	[dreg:$0x13] =	wrdreg s16  }
0x11: {  	s21 =	simm.s32 $0x9880;
	s22 =	simm.s32 $0xA080;
	[dreg:$0x14] =	wrdreg s17  }
0x12: {  	s23 =	simm.s32 $0xB080;
	s24 =	simm.s32 $0xB880;
	[dreg:$0x15] =	wrdreg s18  }
0x13: {  	s28 =	simm.s32 $0x16080;
	s29 =	simm.s32 $0x16880;
	[dreg:$0x16] =	wrdreg s19  }
0x14: {  	s30 =	simm.s32 $0x17080;
	s31 =	simm.s32 $0x17880;
	[dreg:$0x17] =	wrdreg s21  }
0x15: {  	s6 =	sshll.u32 s4, $0x4;
	s4 =	ssub.s32 $0x2, s4;
	[dreg:$0x18] =	wrdreg s22  }
0x16: {  	s5 =	sor.u32 s6, s5;
	s20 =	sshrl.u32 s4, $0x1;
	[dreg:$0x1a] =	wrdreg s23  }
0x17: {  	s7 =	simm.s32 $0xA880;
	[dreg:$0x1b] =	wrdreg s24;
	s25 =	simm.s32 $0xC080  }
0x18: {  	s8 =	simm.s32 $0x80;
	s26 =	simm.s32 $0xC880;
	s10 =	simm.s32 $0xD880  }
0x19: {  	s11 =	simm.s32 $0xE080;
	s12 =	simm.s32 $0xE880;
	s13 =	simm.s32 $0xF080  }
0x1a: {  	s14 =	simm.s32 $0xF880;
	s15 =	simm.s32 $0x10080;
	s16 =	simm.s32 $0x10880  }
0x1b: {  	s17 =	simm.s32 $0x11080;
	s18 =	simm.s32 $0x11880;
	s19 =	simm.s32 $0x12080  }
0x1c: {  	s21 =	simm.s32 $0x13080;
	s22 =	simm.s32 $0x13880;
	[dreg:$0x19] =	wrdreg s7  }
0x1d: {  	s6 =	sadd.s32 s5, s1;
	s5 =	smul.u32 $0x300, s5;
	[dreg:$0x1c] =	wrdreg s25  }
0x1e: {  	s23 =	simm.s32 $0x14080;
	[dreg:$0x1d] =	wrdreg s26;
	s6 =	sadd.s32 $0xD4C00, s6  }
0x1f: {  	s24 =	simm.s32 $0x14880;
	[dreg:$0x3] =	wrdreg s6;
	s3 =	sadd.s32 s3, s5  }
0x20: {  	s7 =	simm.s32 $0x2;
	s5 =	simm.s32 $0x2080;
	[dreg:$0x4] =	wrdreg s3  }
0x21: {  	s25 =	simm.s32 $0x15080;
	s6 =	simm.s32 $0x2880;
	[dreg:$0x8] =	wrdreg s5  }
0x22: {  	v2 =	vlaneseq.u32;
	s26 =	simm.s32 $0x15880;
	[dreg:$0x9] =	wrdreg s6;
	s3 =	sadd.s32 $0xD4E00, s1  }
0x23: {  	vm0 =	vmmov $0xffff;
	v1 =	vshrl.u32 v2, $0x3;
	s6 =	ssub.s32 s4, s20;
	s4 =	sadd.s32 $0xD4F00, s1;
	s5 =	sadd.s32 $0xD5000, s1  }
0x24: {  	v0 =	vand.u32 $0x7, v2;
	v2 =	vor.u32 $0x8, v2;
	v1 =	vmul.u32 $0x8, v1;
	s20 =	simm.s32 $0x12880;
	s1 =	simm.s32 $0x1;
	s6 =	smax.u32 s6, $0x1  }
.LBB2_1:
0x25: {  	s0 =	rddreg [dreg:$0x3]  }
0x26: {  	[tilespmem:s2], [sflag:$0x2] =	stream.linear.gather [hbm4b:s0+s2], $0x80, $0x38;
	[tilespmem:$0x18080] =	vst v63  }
0x27: {  	_ =	swait.ge [sflag:s7], $0x80  }
0x28: {  	[sflag:s7] =	ssyncset.done $0x0  }
0x29: {  	[sflag:s7] =	ssyncadd.s32 $0xFFFFFF80  }
0x2a: {  	v3 =	vld [tilespmem:$0x0];
	_ =	sdelay $0x4  }
0x2b: {  	v4 =	vshrl.u32 v3, $0x3  }
0x2c: {  	v4 =	vmul.u32 $0x30, v4  }
0x2d: {  	v3 =	vand.u32 $0x7, v3  }
0x2e: {  	v3 =	vor.u32 v3, v4  }
0x2f: {  	v4 =	vperm.xlane v3, v0;
	_ =	sdelay $0x1  }
0x30: {  	v4 =	vadd.s32 v1, v4;
	_ =	sdelay $0x3  }
0x31: {  	v3 =	vperm.xlane v3, v2  }
0x32: {  	[tilespmem:s8], [sflag:$0x1] =	stream.indirect_vreg.gather [hbm4b:s3+s2], $0x80, v4, vm0, $0xb8;
	[tilespmem:$0x18080] =	vst v63  }
0x33: {  	s0 =	rddreg [dreg:$0x5];
	v3 =	vadd.s32 v1, v3  }
0x34: {  	[tilespmem:s0], [sflag:$0x1] =	stream.indirect_vreg.gather [hbm4b:s4+s2], $0x80, v4, vm0, $0xb8;
	[tilespmem:$0x18080] =	vst v63  }
0x35: {  	s9 =	rddreg [dreg:$0x6]  }
0x36: {  	[tilespmem:s9], [sflag:$0x1] =	stream.indirect_vreg.gather [hbm4b:s5+s2], $0x80, v4, vm0, $0xb8;
	[tilespmem:$0x18080] =	vst v63  }
0x37: {  	s0 =	rddreg [dreg:$0x7]  }
0x38: {  	[tilespmem:s0], [sflag:$0x1] =	stream.indirect_vreg.gather [hbm4b:s3+s2], $0x80, v3, vm0, $0xb8;
	[tilespmem:$0x18080] =	vst v63  }
0x39: {  	s9 =	rddreg [dreg:$0x8]  }
0x3a: {  	[tilespmem:s9], [sflag:$0x1] =	stream.indirect_vreg.gather [hbm4b:s4+s2], $0x80, v3, vm0, $0xb8;
	[tilespmem:$0x18080] =	vst v63  }
0x3b: {  	s0 =	rddreg [dreg:$0x9]  }
0x3c: {  	[tilespmem:s0], [sflag:$0x1] =	stream.indirect_vreg.gather [hbm4b:s5+s2], $0x80, v3, vm0, $0xb8;
	[tilespmem:$0x18080] =	vst v63  }
0x3d: {  	v3 =	vld [tilespmem:$0x10];
	_ =	sdelay $0x4  }
0x3e: {  	v57 =	vshrl.u32 v3, $0x3  }
0x3f: {  	v4 =	vmul.u32 $0x30, v57  }
0x40: {  	v3 =	vand.u32 $0x7, v3  }
0x41: {  	v3 =	vor.u32 v3, v4  }
0x42: {  	v4 =	vperm.xlane v3, v0;
	_ =	sdelay $0x1  }
0x43: {  	v4 =	vadd.s32 v1, v4;
	_ =	sdelay $0x3  }
0x44: {  	s0 =	rddreg [dreg:$0xa];
	v3 =	vperm.xlane v3, v2  }
0x45: {  	[tilespmem:s0], [sflag:$0x1] =	stream.indirect_vreg.gather [hbm4b:s3+s2], $0x80, v4, vm0, $0xb8;
	[tilespmem:$0x18080] =	vst v63  }
0x46: {  	s9 =	rddreg [dreg:$0xb];
	v3 =	vadd.s32 v1, v3  }
0x47: {  	[tilespmem:s9], [sflag:$0x1] =	stream.indirect_vreg.gather [hbm4b:s4+s2], $0x80, v4, vm0, $0xb8;
	[tilespmem:$0x18080] =	vst v63  }
0x48: {  	s0 =	rddreg [dreg:$0xc]  }
0x49: {  	[tilespmem:s0], [sflag:$0x1] =	stream.indirect_vreg.gather [hbm4b:s5+s2], $0x80, v4, vm0, $0xb8;
	[tilespmem:$0x18080] =	vst v63  }
0x4a: {  	s9 =	rddreg [dreg:$0xd]  }
0x4b: {  	[tilespmem:s9], [sflag:$0x1] =	stream.indirect_vreg.gather [hbm4b:s3+s2], $0x80, v3, vm0, $0xb8;
	[tilespmem:$0x18080] =	vst v63  }
0x4c: {  	s0 =	rddreg [dreg:$0xe]  }
0x4d: {  	[tilespmem:s0], [sflag:$0x1] =	stream.indirect_vreg.gather [hbm4b:s4+s2], $0x80, v3, vm0, $0xb8;
	[tilespmem:$0x18080] =	vst v63  }
0x4e: {  	s9 =	rddreg [dreg:$0xf]  }
0x4f: {  	[tilespmem:s9], [sflag:$0x1] =	stream.indirect_vreg.gather [hbm4b:s5+s2], $0x80, v3, vm0, $0xb8;
	[tilespmem:$0x18080] =	vst v63  }
0x50: {  	v3 =	vld [tilespmem:$0x20];
	_ =	sdelay $0x4  }
0x51: {  	v58 =	vshrl.u32 v3, $0x3  }
0x52: {  	v4 =	vmul.u32 $0x30, v58  }
0x53: {  	v3 =	vand.u32 $0x7, v3  }
0x54: {  	v3 =	vor.u32 v3, v4  }
0x55: {  	v4 =	vperm.xlane v3, v0;
	_ =	sdelay $0x1  }
0x56: {  	v4 =	vadd.s32 v1, v4;
	_ =	sdelay $0x3  }
0x57: {  	s0 =	rddreg [dreg:$0x10];
	v3 =	vperm.xlane v3, v2  }
0x58: {  	[tilespmem:s0], [sflag:$0x1] =	stream.indirect_vreg.gather [hbm4b:s3+s2], $0x80, v4, vm0, $0xb8;
	[tilespmem:$0x18080] =	vst v63  }
0x59: {  	s9 =	rddreg [dreg:$0x11];
	v3 =	vadd.s32 v1, v3  }
0x5a: {  	[tilespmem:s9], [sflag:$0x1] =	stream.indirect_vreg.gather [hbm4b:s4+s2], $0x80, v4, vm0, $0xb8;
	[tilespmem:$0x18080] =	vst v63  }
0x5b: {  	s0 =	rddreg [dreg:$0x12]  }
0x5c: {  	[tilespmem:s0], [sflag:$0x1] =	stream.indirect_vreg.gather [hbm4b:s5+s2], $0x80, v4, vm0, $0xb8;
	[tilespmem:$0x18080] =	vst v63  }
0x5d: {  	s9 =	rddreg [dreg:$0x13]  }
0x5e: {  	[tilespmem:s9], [sflag:$0x1] =	stream.indirect_vreg.gather [hbm4b:s3+s2], $0x80, v3, vm0, $0xb8;
	[tilespmem:$0x18080] =	vst v63  }
0x5f: {  	s0 =	rddreg [dreg:$0x14]  }
0x60: {  	[tilespmem:s0], [sflag:$0x1] =	stream.indirect_vreg.gather [hbm4b:s4+s2], $0x80, v3, vm0, $0xb8;
	[tilespmem:$0x18080] =	vst v63  }
0x61: {  	s9 =	rddreg [dreg:$0x15]  }
0x62: {  	[tilespmem:s9], [sflag:$0x1] =	stream.indirect_vreg.gather [hbm4b:s5+s2], $0x80, v3, vm0, $0xb8;
	[tilespmem:$0x18080] =	vst v63  }
0x63: {  	v3 =	vld [tilespmem:$0x30];
	_ =	sdelay $0x4  }
0x64: {  	v59 =	vshrl.u32 v3, $0x3  }
0x65: {  	v4 =	vmul.u32 $0x30, v59  }
0x66: {  	v3 =	vand.u32 $0x7, v3  }
0x67: {  	v3 =	vor.u32 v3, v4  }
0x68: {  	v4 =	vperm.xlane v3, v0;
	_ =	sdelay $0x1  }
0x69: {  	v4 =	vadd.s32 v1, v4;
	_ =	sdelay $0x3  }
0x6a: {  	s0 =	rddreg [dreg:$0x16];
	v3 =	vperm.xlane v3, v2  }
0x6b: {  	[tilespmem:s0], [sflag:$0x1] =	stream.indirect_vreg.gather [hbm4b:s3+s2], $0x80, v4, vm0, $0xb8;
	[tilespmem:$0x18080] =	vst v63  }
0x6c: {  	s9 =	rddreg [dreg:$0x17];
	v3 =	vadd.s32 v1, v3  }
0x6d: {  	[tilespmem:s9], [sflag:$0x1] =	stream.indirect_vreg.gather [hbm4b:s4+s2], $0x80, v4, vm0, $0xb8;
	[tilespmem:$0x18080] =	vst v63  }
0x6e: {  	s0 =	rddreg [dreg:$0x18]  }
0x6f: {  	[tilespmem:s0], [sflag:$0x1] =	stream.indirect_vreg.gather [hbm4b:s5+s2], $0x80, v4, vm0, $0xb8;
	[tilespmem:$0x18080] =	vst v63  }
0x70: {  	s9 =	rddreg [dreg:$0x19]  }
0x71: {  	[tilespmem:s9], [sflag:$0x1] =	stream.indirect_vreg.gather [hbm4b:s3+s2], $0x80, v3, vm0, $0xb8;
	[tilespmem:$0x18080] =	vst v63  }
0x72: {  	s0 =	rddreg [dreg:$0x1a]  }
0x73: {  	[tilespmem:s0], [sflag:$0x1] =	stream.indirect_vreg.gather [hbm4b:s4+s2], $0x80, v3, vm0, $0xb8;
	[tilespmem:$0x18080] =	vst v63  }
0x74: {  	s9 =	rddreg [dreg:$0x1b]  }
0x75: {  	[tilespmem:s9], [sflag:$0x1] =	stream.indirect_vreg.gather [hbm4b:s5+s2], $0x80, v3, vm0, $0xb8;
	[tilespmem:$0x18080] =	vst v63  }
0x76: {  	v3 =	vld [tilespmem:$0x40];
	_ =	sdelay $0x4  }
0x77: {  	v60 =	vshrl.u32 v3, $0x3  }
0x78: {  	v4 =	vmul.u32 $0x30, v60  }
0x79: {  	v3 =	vand.u32 $0x7, v3  }
0x7a: {  	v3 =	vor.u32 v3, v4  }
0x7b: {  	v4 =	vperm.xlane v3, v0;
	_ =	sdelay $0x1  }
0x7c: {  	v4 =	vadd.s32 v1, v4;
	_ =	sdelay $0x3  }
0x7d: {  	s0 =	rddreg [dreg:$0x1c];
	v3 =	vperm.xlane v3, v2  }
0x7e: {  	[tilespmem:s0], [sflag:$0x1] =	stream.indirect_vreg.gather [hbm4b:s3+s2], $0x80, v4, vm0, $0xb8;
	[tilespmem:$0x18080] =	vst v63  }
0x7f: {  	s9 =	rddreg [dreg:$0x1d];
	v3 =	vadd.s32 v1, v3  }
0x80: {  	[tilespmem:s9], [sflag:$0x1] =	stream.indirect_vreg.gather [hbm4b:s4+s2], $0x80, v4, vm0, $0xb8;
	[tilespmem:$0x18080] =	vst v63  }
0x81: {  	s9 =	simm.s32 $0xD080  }
0x82: {  	[tilespmem:s9], [sflag:$0x1] =	stream.indirect_vreg.gather [hbm4b:s5+s2], $0x80, v4, vm0, $0xb8;
	[tilespmem:$0x18080] =	vst v63  }
0x83: {  	_ = 	snop  }
0x84: {  	[tilespmem:s10], [sflag:$0x1] =	stream.indirect_vreg.gather [hbm4b:s3+s2], $0x80, v3, vm0, $0xb8;
	[tilespmem:$0x18080] =	vst v63  }
0x85: {  	_ = 	snop  }
0x86: {  	[tilespmem:s11], [sflag:$0x1] =	stream.indirect_vreg.gather [hbm4b:s4+s2], $0x80, v3, vm0, $0xb8;
	[tilespmem:$0x18080] =	vst v63  }
0x87: {  	_ = 	snop  }
0x88: {  	[tilespmem:s12], [sflag:$0x1] =	stream.indirect_vreg.gather [hbm4b:s5+s2], $0x80, v3, vm0, $0xb8;
	[tilespmem:$0x18080] =	vst v63  }
0x89: {  	v3 =	vld [tilespmem:$0x50];
	_ =	sdelay $0x4  }
0x8a: {  	v61 =	vshrl.u32 v3, $0x3  }
0x8b: {  	v4 =	vmul.u32 $0x30, v61  }
0x8c: {  	v3 =	vand.u32 $0x7, v3  }
0x8d: {  	v3 =	vor.u32 v3, v4  }
0x8e: {  	v4 =	vperm.xlane v3, v0;
	_ =	sdelay $0x1  }
0x8f: {  	v4 =	vadd.s32 v1, v4;
	_ =	sdelay $0x3  }
0x90: {  	v3 =	vperm.xlane v3, v2  }
0x91: {  	[tilespmem:s13], [sflag:$0x1] =	stream.indirect_vreg.gather [hbm4b:s3+s2], $0x80, v4, vm0, $0xb8;
	[tilespmem:$0x18080] =	vst v63  }
0x92: {  	v3 =	vadd.s32 v1, v3  }
0x93: {  	[tilespmem:s14], [sflag:$0x1] =	stream.indirect_vreg.gather [hbm4b:s4+s2], $0x80, v4, vm0, $0xb8;
	[tilespmem:$0x18080] =	vst v63  }
0x94: {  	_ = 	snop  }
0x95: {  	[tilespmem:s15], [sflag:$0x1] =	stream.indirect_vreg.gather [hbm4b:s5+s2], $0x80, v4, vm0, $0xb8;
	[tilespmem:$0x18080] =	vst v63  }
0x96: {  	_ = 	snop  }
0x97: {  	[tilespmem:s16], [sflag:$0x1] =	stream.indirect_vreg.gather [hbm4b:s3+s2], $0x80, v3, vm0, $0xb8;
	[tilespmem:$0x18080] =	vst v63  }
0x98: {  	_ = 	snop  }
0x99: {  	[tilespmem:s17], [sflag:$0x1] =	stream.indirect_vreg.gather [hbm4b:s4+s2], $0x80, v3, vm0, $0xb8;
	[tilespmem:$0x18080] =	vst v63  }
0x9a: {  	_ = 	snop  }
0x9b: {  	[tilespmem:s18], [sflag:$0x1] =	stream.indirect_vreg.gather [hbm4b:s5+s2], $0x80, v3, vm0, $0xb8;
	[tilespmem:$0x18080] =	vst v63  }
0x9c: {  	v3 =	vld [tilespmem:$0x60];
	_ =	sdelay $0x4  }
0x9d: {  	v62 =	vshrl.u32 v3, $0x3  }
0x9e: {  	v4 =	vmul.u32 $0x30, v62  }
0x9f: {  	v3 =	vand.u32 $0x7, v3  }
0xa0: {  	v3 =	vor.u32 v3, v4  }
0xa1: {  	v4 =	vperm.xlane v3, v0;
	_ =	sdelay $0x1  }
0xa2: {  	v4 =	vadd.s32 v1, v4;
	_ =	sdelay $0x3  }
0xa3: {  	v3 =	vperm.xlane v3, v2  }
0xa4: {  	[tilespmem:s19], [sflag:$0x1] =	stream.indirect_vreg.gather [hbm4b:s3+s2], $0x80, v4, vm0, $0xb8;
	[tilespmem:$0x18080] =	vst v63  }
0xa5: {  	v3 =	vadd.s32 v1, v3  }
0xa6: {  	[tilespmem:s20], [sflag:$0x1] =	stream.indirect_vreg.gather [hbm4b:s4+s2], $0x80, v4, vm0, $0xb8;
	[tilespmem:$0x18080] =	vst v63  }
0xa7: {  	_ = 	snop  }
0xa8: {  	[tilespmem:s21], [sflag:$0x1] =	stream.indirect_vreg.gather [hbm4b:s5+s2], $0x80, v4, vm0, $0xb8;
	[tilespmem:$0x18080] =	vst v63  }
0xa9: {  	_ = 	snop  }
0xaa: {  	[tilespmem:s22], [sflag:$0x1] =	stream.indirect_vreg.gather [hbm4b:s3+s2], $0x80, v3, vm0, $0xb8;
	[tilespmem:$0x18080] =	vst v63  }
0xab: {  	_ = 	snop  }
0xac: {  	[tilespmem:s23], [sflag:$0x1] =	stream.indirect_vreg.gather [hbm4b:s4+s2], $0x80, v3, vm0, $0xb8;
	[tilespmem:$0x18080] =	vst v63  }
0xad: {  	_ = 	snop  }
0xae: {  	[tilespmem:s24], [sflag:$0x1] =	stream.indirect_vreg.gather [hbm4b:s5+s2], $0x80, v3, vm0, $0xb8;
	[tilespmem:$0x18080] =	vst v63  }
0xaf: {  	v3 =	vld [tilespmem:$0x70];
	_ =	sdelay $0x4  }
0xb0: {  	v63 =	vshrl.u32 v3, $0x3  }
0xb1: {  	v4 =	vmul.u32 $0x30, v63  }
0xb2: {  	v3 =	vand.u32 $0x7, v3  }
0xb3: {  	v3 =	vor.u32 v3, v4  }
0xb4: {  	v4 =	vperm.xlane v3, v0;
	_ =	sdelay $0x1  }
0xb5: {  	v4 =	vadd.s32 v1, v4;
	_ =	sdelay $0x3  }
0xb6: {  	v3 =	vperm.xlane v3, v2  }
0xb7: {  	[tilespmem:s25], [sflag:$0x1] =	stream.indirect_vreg.gather [hbm4b:s3+s2], $0x80, v4, vm0, $0xb8;
	[tilespmem:$0x18080] =	vst v63  }
0xb8: {  	v3 =	vadd.s32 v1, v3  }
0xb9: {  	[tilespmem:s26], [sflag:$0x1] =	stream.indirect_vreg.gather [hbm4b:s4+s2], $0x80, v4, vm0, $0xb8;
	[tilespmem:$0x18080] =	vst v63  }
0xba: {  	_ = 	snop  }
0xbb: {  	[tilespmem:s28], [sflag:$0x1] =	stream.indirect_vreg.gather [hbm4b:s5+s2], $0x80, v4, vm0, $0xb8;
	[tilespmem:$0x18080] =	vst v63  }
0xbc: {  	_ = 	snop  }
0xbd: {  	[tilespmem:s29], [sflag:$0x1] =	stream.indirect_vreg.gather [hbm4b:s3+s2], $0x80, v3, vm0, $0xb8;
	[tilespmem:$0x18080] =	vst v63  }
0xbe: {  	_ = 	snop  }
0xbf: {  	[tilespmem:s30], [sflag:$0x1] =	stream.indirect_vreg.gather [hbm4b:s4+s2], $0x80, v3, vm0, $0xb8;
	[tilespmem:$0x18080] =	vst v63  }
0xc0: {  	_ = 	snop  }
0xc1: {  	[tilespmem:s31], [sflag:$0x1] =	stream.indirect_vreg.gather [hbm4b:s5+s2], $0x80, v3, vm0, $0xb8;
	[tilespmem:$0x18080] =	vst v63  }
0xc2: {  	_ =	swait.ge [sflag:s1], $0x18000  }
0xc3: {  	p0 =	sne.s32 s6, $0x1;
	[sflag:s1] =	ssyncset.done $0x0  }
.Ltmp0:
0xc4: {  	s9 =	rddreg [dreg:$0x4];
	[sflag:s1] =	ssyncadd.s32 $0xFFFE8000;
	(pc) =	sbr.rel @p0 .LBB2_1-.Ltmp0, $4  }
0xc5: {  	[hbm4b:s9+s2] =	stream.linear.scatter [tilespmem:s8], [sflag:$0x2], $0x18000, $0x38;
	[tilespmem:$0x18080] =	vst v63  }
0xc6: {  	_ =	swait.ge [sflag:s7], $0x18000  }
0xc7: {  	[sflag:s7] =	ssyncset.done $0x0  }
0xc8: {  	s6 =	sadd.s32 $0xFFFFFFFF, s6;
	[sflag:s7] =	ssyncadd.s32 $0xFFFE8000  }
0xc9: {  	_ =	sfence.sel $0x180000  }
0xca: {  	[bflag:$0x0] =	sbarrier.arrive $0xFFFF  }
0xcb: {  	_ =	strace $0x9000004A  }
0xcc: {  	s0 =	stileid.u32;
	[bflag:$0x2] =	sbarrier.arrive $0xFFFF  }
0xcd: {  	p0 =	sne.s32 s0, $0x0;
	s0 =	rddreg [dreg:$0x2]  }
0xce: {  	s0 =	sadd.s32 @!p0 $0x100000, s0  }
0xcf: {  	[sflag:s0] =	ssyncadd.tile.s32 @!p0 $0x1;
	_ =	shalt  }
.Lfunc_end2:
_tile_overlayer_lowered:
.L_overlay_start_2:
0xd0: {  	(tag) =	ssettag $0x2  }
0xd1: {  	s0 =	rddreg [dreg:$0x0];
	s2 =	stileid.u32  }
0xd2: {  	s1 =	rddreg [dreg:$0x1];
	p0 =	sne.s32 s2, $0x0  }
0xd3: {  	s3 =	rddreg [dreg:$0x2];
	[bflag:$0x3] =	sbarrier.arrive $0xFFFF;
	s2 =	simm.s32 @!p0 $0x1C02  }
0xd4: {  	[timem:s3], [sflag:s2] =	dma.local @!p0 [hbm:s0], s1  }
0xd5: {  	s0 =	simm.s32 @!p0 $0x2  }
0xd6: {  	_ =	swait.ge @!p0 [sflag:s0], s1  }
0xd7: {  	s1 =	ssub.s32 @!p0 $0x0, s1;
	[sflag:s0] =	ssyncset.done @!p0 $0x0  }
0xd8: {  	[sflag:s0] =	ssyncadd.s32 @!p0 s1  }
0xd9: {  	[bflag:$0x3] =	sbarrier.arrive $0xFFFF  }
0xda: {  	_ =	shalt  }

</sc_bundles>
